<compile_context>
chip_gen: v7x
topology: tpu7x:2x2x1
jax: 0.10.2.dev20260603
libtpu: 0.0.44.dev20260713+nightly
codegen_flags: <defaults>
</compile_context>

<pallas_src>
import functools

import jax
import jax.numpy as jnp
from jax import lax
from jax.experimental import pallas as pl
from jax.experimental.pallas import tpu as pltpu
from jax.experimental.pallas import tpu_sc as plsc

_CHUNK = 128
_NSPLIT = 4


def _make_argmax(b, hw, k, nb, s):
    def body(z_ref, idx_ref):
        z = z_ref[0]
        m = jnp.max(z, axis=1, keepdims=True)
        iota = jax.lax.broadcasted_iota(jnp.int32, z.shape, 1)
        idx_ref[0, 0] = jnp.min(jnp.where(z == m, iota, k), axis=1)

    return pl.pallas_call(
        body,
        grid=(nb,),
        in_specs=[pl.BlockSpec((1, hw, k), lambda i: (s * nb + i, 0, 0))],
        out_specs=pl.BlockSpec((1, 1, hw), lambda i: (i, 0, 0)),
        out_shape=jax.ShapeDtypeStruct((nb, 1, hw), jnp.int32),
    )


def _make_sc_gather(n, npart, d, nc, nw, s, with_out_type):
    n_per_w = npart // nw
    n_chunks = n_per_w // _CHUNK
    mesh = plsc.VectorSubcoreMesh(core_axis_name="c", subcore_axis_name="s")

    kwargs = {}
    if with_out_type:
        kwargs["out_type"] = jax.ShapeDtypeStruct((n, d), jnp.float32)

    @functools.partial(
        pl.kernel,
        mesh=mesh,
        scratch_types=[
            pltpu.VMEM((n_chunks, _CHUNK), jnp.int32),
            pltpu.VMEM((2, _CHUNK, d), jnp.float32),
            pltpu.SemaphoreType.DMA,
        ],
        **kwargs,
    )
    def sc_gather(w_hbm, idx_hbm, out_hbm, idx_v, rows_v, gsem):
        wid = lax.axis_index("s") * nc + lax.axis_index("c")
        base = s * npart + wid * n_per_w
        pltpu.sync_copy(idx_hbm.at[wid], idx_v)
        prev = None
        for c in range(n_chunks):
            cp = pltpu.async_copy(w_hbm.at[idx_v.at[c]], rows_v.at[c % 2], gsem)
            if prev is not None:
                prev.wait()
                pltpu.sync_copy(
                    rows_v.at[(c - 1) % 2],
                    out_hbm.at[pl.ds(base + (c - 1) * _CHUNK, _CHUNK)],
                )
            prev = cp
        prev.wait()
        pltpu.sync_copy(
            rows_v.at[(n_chunks - 1) % 2],
            out_hbm.at[pl.ds(base + (n_chunks - 1) * _CHUNK, _CHUNK)],
        )

    return sc_gather


@jax.jit
def kernel(z_e_x, weight):
    b, k, h, w = z_e_x.shape
    d = weight.shape[1]
    hw = h * w
    n = b * hw
    z = jnp.transpose(z_e_x, (0, 2, 3, 1)).reshape(b, hw, k)
    info = plsc.get_sparse_core_info()
    nc = info.num_cores
    nw = nc * info.num_subcores
    nb = b // _NSPLIT
    npart = n // _NSPLIT

    idxs = [_make_argmax(b, hw, k, nb, s)(z) for s in range(_NSPLIT)]
    idxs = [ix.reshape(nw, npart // (nw * _CHUNK), _CHUNK) for ix in idxs]

    out = _make_sc_gather(n, npart, d, nc, nw, 0, True)(weight, idxs[0])
    out_ref = jax.new_ref(out)
    for s in range(1, _NSPLIT):
        _make_sc_gather(n, npart, d, nc, nw, s, False)(weight, idxs[s], out_ref)
    out = out_ref[...]
    return out.reshape(b, h, w, d).transpose(0, 3, 1, 2)

# --- scband reference (transcript-rebuilt; emitter-appended) ---
"""Pipeline reference for scband-vqembedding-cat-61452392071797 (READ-ONLY COPY).

The authoritative reference and input builder live on the scoring server;
editing this copy changes nothing except your own understanding.
"""

import jax, jax.numpy as jnp
import numpy as np

K = 1024
D = 256

def setup_inputs(seed: int = 0) -> dict:
    key = jax.random.key(seed)
    k1, k2 = jax.random.split(key)
    z_e_x = jax.random.normal(k1, (32, K, 32, 32), dtype=jnp.float32)
    # embedding weight initialized uniform(-1/K, 1/K) as in the torch module
    weight = jax.random.uniform(k2, (K, D), dtype=jnp.float32, minval=-1.0 / K, maxval=1.0 / K)
    return {"z_e_x": z_e_x, "weight": weight}

def reference(z_e_x, weight):
    # indices = argmax over codebook (channel) dim -> (B, H, W)
    indices = jnp.argmax(z_e_x, axis=1)
    # gather codebook rows: (B*H*W, D)
    z_q_x_flatten = jnp.take(weight, indices.reshape(-1), axis=0)
    # reshape to (B, H, W, D) then permute to (B, D, H, W)
    z_q_x = z_q_x_flatten.reshape(z_e_x.shape[0], z_e_x.shape[2], z_e_x.shape[3], -1)
    z_q_x = jnp.transpose(z_q_x, (0, 3, 1, 2))
    return z_q_x

if __name__ == "__main__":
    import jax
    _d = setup_inputs()
    print(jax.jit(kernel)(*tuple(_d.values())))

</pallas_src>

<mosaic_0001>
#map = affine_map<(d0, d1) -> (0, 0)>
#map1 = affine_map<(d0, d1) -> (0, 0, 0)>
module attributes {stable_mosaic.version = 14 : i64} {
  func.func @sc_gather(%arg0: i32, %arg1: i32, %arg2: memref<1024x256xf32, #tpu.memory_space<hbm>>, %arg3: memref<32x2x128xi32, #tpu.memory_space<hbm>>, %arg4: memref<32768x256xf32, #tpu.memory_space<hbm>>, %arg5: memref<2x128xi32, #tpu.memory_space<vmem>>, %arg6: memref<2x128x256xf32, #tpu.memory_space<vmem>>, %arg7: memref<!tpu.dma_semaphore, #tpu.memory_space<semaphore_mem>>) attributes {dimension_semantics = [#tpu.dimension_semantics<core_parallel>, #tpu.dimension_semantics<subcore_parallel>], iteration_bounds = array<i64: 2, 16>, scalar_prefetch = 0 : i64, scratch_operands = 3 : i64, tpu.core_type = #tpu.core_type<sc_vector_subcore>, window_params = [{transform_indices = #map}, {transform_indices = #map1}, {transform_indices = #map}]} {
    %mul3A = arith.constant 2 : i32
    %mul3A_0 = arith.muli %arg1, %mul3A : i32
    %add3A = arith.addi %mul3A_0, %arg0 : i32
    %mul3A_1 = arith.constant 256 : i32
    %mul3A_2 = arith.muli %add3A, %mul3A_1 : i32
    %add3A_3 = arith.constant 0 : i32
    %add3A_4 = arith.addi %add3A_3, %mul3A_2 : i32
    "tpu.region"() ({
      %run_scoped3A_56 = tpu.sem_alloc : memref<!tpu.dma_semaphore, #tpu.memory_space<semaphore_mem>>
      %dma_start3A_57 = arith.constant 0 : i32
      %dma_start3A_58 = arith.constant 0 : i32
      %dma_start3A_59 = tpu.memref_slice %arg3[%add3A, %dma_start3A_57, %dma_start3A_58] : memref<32x2x128xi32, #tpu.memory_space<hbm>> -> memref<1x2x128xi32, #tpu.memory_space<hbm>>
      %dma_start3A_60 = tpu.memref_squeeze %dma_start3A_59 : memref<1x2x128xi32, #tpu.memory_space<hbm>> -> memref<2x128xi32, #tpu.memory_space<hbm>>
      %dma_start3A_61 = arith.constant 0 : i32
      %dma_start3A_62 = arith.constant 0 : i32
      %dma_start3A_63 = tpu.memref_slice %arg3[%add3A, %dma_start3A_61, %dma_start3A_62] : memref<32x2x128xi32, #tpu.memory_space<hbm>> -> memref<1x2x128xi32, #tpu.memory_space<hbm>>
      %dma_start3A_64 = tpu.memref_squeeze %dma_start3A_63 : memref<1x2x128xi32, #tpu.memory_space<hbm>> -> memref<2x128xi32, #tpu.memory_space<hbm>>
      tpu.enqueue_dma source(%dma_start3A_64 : memref<2x128xi32, #tpu.memory_space<hbm>>) target(%arg5 : memref<2x128xi32, #tpu.memory_space<vmem>>) target_semaphore(%run_scoped3A_56 : memref<!tpu.dma_semaphore, #tpu.memory_space<semaphore_mem>>)
      %dma_wait3A_65 = arith.constant 0 : i32
      %dma_wait3A_66 = arith.constant 0 : i32
      %dma_wait3A_67 = tpu.memref_slice %arg3[%add3A, %dma_wait3A_65, %dma_wait3A_66] : memref<32x2x128xi32, #tpu.memory_space<hbm>> -> memref<1x2x128xi32, #tpu.memory_space<hbm>>
      %dma_wait3A_68 = tpu.memref_squeeze %dma_wait3A_67 : memref<1x2x128xi32, #tpu.memory_space<hbm>> -> memref<2x128xi32, #tpu.memory_space<hbm>>
      %dma_wait3A_69 = arith.constant 0 : i32
      %dma_wait3A_70 = arith.constant 0 : i32
      %dma_wait3A_71 = tpu.memref_slice %arg3[%add3A, %dma_wait3A_69, %dma_wait3A_70] : memref<32x2x128xi32, #tpu.memory_space<hbm>> -> memref<1x2x128xi32, #tpu.memory_space<hbm>>
      %dma_wait3A_72 = tpu.memref_squeeze %dma_wait3A_71 : memref<1x2x128xi32, #tpu.memory_space<hbm>> -> memref<2x128xi32, #tpu.memory_space<hbm>>
      tpu.wait_dma2 semaphore(%run_scoped3A_56 : memref<!tpu.dma_semaphore, #tpu.memory_space<semaphore_mem>>) src(%dma_wait3A_72 : memref<2x128xi32, #tpu.memory_space<hbm>>) dst(%arg5 : memref<2x128xi32, #tpu.memory_space<vmem>>)
      tpu.yield
    }) : () -> ()
    %dma_start3A = arith.constant 0 : i32
    %dma_start3A_5 = arith.constant 0 : i32
    %dma_start3A_6 = arith.constant 0 : i32
    %dma_start3A_7 = arith.constant 0 : i32
    %dma_start3A_8 = tpu.memref_slice %arg6[%dma_start3A_5, %dma_start3A_6, %dma_start3A_7] : memref<2x128x256xf32, #tpu.memory_space<vmem>> -> memref<1x128x256xf32, #tpu.memory_space<vmem>>
    %dma_start3A_9 = tpu.memref_squeeze %dma_start3A_8 : memref<1x128x256xf32, #tpu.memory_space<vmem>> -> memref<128x256xf32, #tpu.memory_space<vmem>>
    %dma_start3A_10 = arith.constant 0 : i32
    %dma_start3A_11 = tpu.memref_slice %arg5[%dma_start3A, %dma_start3A_10] : memref<2x128xi32, #tpu.memory_space<vmem>> -> memref<1x128xi32, #tpu.memory_space<vmem>>
    %dma_start3A_12 = tpu.memref_squeeze %dma_start3A_11 : memref<1x128xi32, #tpu.memory_space<vmem>> -> memref<128xi32, #tpu.memory_space<vmem>>
    %dma_start3A_13 = arith.constant 0 : i32
    %dma_start3A_14 = arith.constant 0 : i32
    %dma_start3A_15 = tpu.memref_slice %arg2[%dma_start3A_13, %dma_start3A_14] : memref<1024x256xf32, #tpu.memory_space<hbm>> -> memref<1024x256xf32, #tpu.memory_space<hbm>>
    tpu.enqueue_indirect_dma source(%dma_start3A_15 : memref<1024x256xf32, #tpu.memory_space<hbm>>) target(%dma_start3A_9 : memref<128x256xf32, #tpu.memory_space<vmem>>) offsets(%dma_start3A_12 : memref<128xi32, #tpu.memory_space<vmem>>) semaphore(%arg7 : memref<!tpu.dma_semaphore, #tpu.memory_space<semaphore_mem>>)
    %dma_start3A_16 = arith.constant 1 : i32
    %dma_start3A_17 = arith.constant 1 : i32
    %dma_start3A_18 = arith.constant 0 : i32
    %dma_start3A_19 = arith.constant 0 : i32
    %dma_start3A_20 = tpu.memref_slice %arg6[%dma_start3A_17, %dma_start3A_18, %dma_start3A_19] : memref<2x128x256xf32, #tpu.memory_space<vmem>> -> memref<1x128x256xf32, #tpu.memory_space<vmem>>
    %dma_start3A_21 = tpu.memref_squeeze %dma_start3A_20 : memref<1x128x256xf32, #tpu.memory_space<vmem>> -> memref<128x256xf32, #tpu.memory_space<vmem>>
    %dma_start3A_22 = arith.constant 0 : i32
    %dma_start3A_23 = tpu.memref_slice %arg5[%dma_start3A_16, %dma_start3A_22] : memref<2x128xi32, #tpu.memory_space<vmem>> -> memref<1x128xi32, #tpu.memory_space<vmem>>
    %dma_start3A_24 = tpu.memref_squeeze %dma_start3A_23 : memref<1x128xi32, #tpu.memory_space<vmem>> -> memref<128xi32, #tpu.memory_space<vmem>>
    %dma_start3A_25 = arith.constant 0 : i32
    %dma_start3A_26 = arith.constant 0 : i32
    %dma_start3A_27 = tpu.memref_slice %arg2[%dma_start3A_25, %dma_start3A_26] : memref<1024x256xf32, #tpu.memory_space<hbm>> -> memref<1024x256xf32, #tpu.memory_space<hbm>>
    tpu.enqueue_indirect_dma source(%dma_start3A_27 : memref<1024x256xf32, #tpu.memory_space<hbm>>) target(%dma_start3A_21 : memref<128x256xf32, #tpu.memory_space<vmem>>) offsets(%dma_start3A_24 : memref<128xi32, #tpu.memory_space<vmem>>) semaphore(%arg7 : memref<!tpu.dma_semaphore, #tpu.memory_space<semaphore_mem>>)
    %dma_wait3A = arith.constant 0 : i32
    %dma_wait3A_28 = arith.constant 0 : i32
    %dma_wait3A_29 = arith.constant 0 : i32
    %dma_wait3A_30 = arith.constant 0 : i32
    %dma_wait3A_31 = tpu.memref_slice %arg6[%dma_wait3A_28, %dma_wait3A_29, %dma_wait3A_30] : memref<2x128x256xf32, #tpu.memory_space<vmem>> -> memref<1x128x256xf32, #tpu.memory_space<vmem>>
    %dma_wait3A_32 = tpu.memref_squeeze %dma_wait3A_31 : memref<1x128x256xf32, #tpu.memory_space<vmem>> -> memref<128x256xf32, #tpu.memory_space<vmem>>
    %dma_wait3A_33 = arith.constant 0 : i32
    %dma_wait3A_34 = tpu.memref_slice %arg5[%dma_wait3A, %dma_wait3A_33] : memref<2x128xi32, #tpu.memory_space<vmem>> -> memref<1x128xi32, #tpu.memory_space<vmem>>
    %dma_wait3A_35 = tpu.memref_squeeze %dma_wait3A_34 : memref<1x128xi32, #tpu.memory_space<vmem>> -> memref<128xi32, #tpu.memory_space<vmem>>
    %dma_wait3A_36 = arith.constant 0 : i32
    %dma_wait3A_37 = arith.constant 0 : i32
    %dma_wait3A_38 = tpu.memref_slice %arg2[%dma_wait3A_36, %dma_wait3A_37] : memref<1024x256xf32, #tpu.memory_space<hbm>> -> memref<1024x256xf32, #tpu.memory_space<hbm>>
    tpu.wait_indirect_dma semaphore(%arg7 : memref<!tpu.dma_semaphore, #tpu.memory_space<semaphore_mem>>) src(%dma_wait3A_38 : memref<1024x256xf32, #tpu.memory_space<hbm>>) dst(%dma_wait3A_32 : memref<128x256xf32, #tpu.memory_space<vmem>>)
    %add3A_39 = arith.constant 0 : i32
    %add3A_40 = arith.addi %add3A_4, %add3A_39 : i32
    %run_scoped3A = arith.constant 0 : i32
    "tpu.region"() ({
      %run_scoped3A_56 = tpu.sem_alloc : memref<!tpu.dma_semaphore, #tpu.memory_space<semaphore_mem>>
      %dma_start3A_57 = arith.constant 0 : i32
      %dma_start3A_58 = arith.constant 0 : i32
      %dma_start3A_59 = tpu.memref_slice %arg6[%run_scoped3A, %dma_start3A_57, %dma_start3A_58] : memref<2x128x256xf32, #tpu.memory_space<vmem>> -> memref<1x128x256xf32, #tpu.memory_space<vmem>>
      %dma_start3A_60 = tpu.memref_squeeze %dma_start3A_59 : memref<1x128x256xf32, #tpu.memory_space<vmem>> -> memref<128x256xf32, #tpu.memory_space<vmem>>
      %dma_start3A_61 = arith.constant 0 : i32
      %dma_start3A_62 = tpu.memref_slice %arg4[%add3A_40, %dma_start3A_61] : memref<32768x256xf32, #tpu.memory_space<hbm>> -> memref<128x256xf32, #tpu.memory_space<hbm>>
      %dma_start3A_63 = arith.constant 0 : i32
      %dma_start3A_64 = tpu.memref_slice %arg4[%add3A_40, %dma_start3A_63] : memref<32768x256xf32, #tpu.memory_space<hbm>> -> memref<128x256xf32, #tpu.memory_space<hbm>>
      %dma_start3A_65 = arith.constant 0 : i32
      %dma_start3A_66 = arith.constant 0 : i32
      %dma_start3A_67 = tpu.memref_slice %arg6[%run_scoped3A, %dma_start3A_65, %dma_start3A_66] : memref<2x128x256xf32, #tpu.memory_space<vmem>> -> memref<1x128x256xf32, #tpu.memory_space<vmem>>
      %dma_start3A_68 = tpu.memref_squeeze %dma_start3A_67 : memref<1x128x256xf32, #tpu.memory_space<vmem>> -> memref<128x256xf32, #tpu.memory_space<vmem>>
      tpu.enqueue_dma source(%dma_start3A_68 : memref<128x256xf32, #tpu.memory_space<vmem>>) target(%dma_start3A_64 : memref<128x256xf32, #tpu.memory_space<hbm>>) target_semaphore(%run_scoped3A_56 : memref<!tpu.dma_semaphore, #tpu.memory_space<semaphore_mem>>)
      %dma_wait3A_69 = arith.constant 0 : i32
      %dma_wait3A_70 = arith.constant 0 : i32
      %dma_wait3A_71 = tpu.memref_slice %arg6[%run_scoped3A, %dma_wait3A_69, %dma_wait3A_70] : memref<2x128x256xf32, #tpu.memory_space<vmem>> -> memref<1x128x256xf32, #tpu.memory_space<vmem>>
      %dma_wait3A_72 = tpu.memref_squeeze %dma_wait3A_71 : memref<1x128x256xf32, #tpu.memory_space<vmem>> -> memref<128x256xf32, #tpu.memory_space<vmem>>
      %dma_wait3A_73 = arith.constant 0 : i32
      %dma_wait3A_74 = tpu.memref_slice %arg4[%add3A_40, %dma_wait3A_73] : memref<32768x256xf32, #tpu.memory_space<hbm>> -> memref<128x256xf32, #tpu.memory_space<hbm>>
      %dma_wait3A_75 = arith.constant 0 : i32
      %dma_wait3A_76 = tpu.memref_slice %arg4[%add3A_40, %dma_wait3A_75] : memref<32768x256xf32, #tpu.memory_space<hbm>> -> memref<128x256xf32, #tpu.memory_space<hbm>>
      %dma_wait3A_77 = arith.constant 0 : i32
      %dma_wait3A_78 = arith.constant 0 : i32
      %dma_wait3A_79 = tpu.memref_slice %arg6[%run_scoped3A, %dma_wait3A_77, %dma_wait3A_78] : memref<2x128x256xf32, #tpu.memory_space<vmem>> -> memref<1x128x256xf32, #tpu.memory_space<vmem>>
      %dma_wait3A_80 = tpu.memref_squeeze %dma_wait3A_79 : memref<1x128x256xf32, #tpu.memory_space<vmem>> -> memref<128x256xf32, #tpu.memory_space<vmem>>
      tpu.wait_dma2 semaphore(%run_scoped3A_56 : memref<!tpu.dma_semaphore, #tpu.memory_space<semaphore_mem>>) src(%dma_wait3A_80 : memref<128x256xf32, #tpu.memory_space<vmem>>) dst(%dma_wait3A_76 : memref<128x256xf32, #tpu.memory_space<hbm>>)
      tpu.yield
    }) : () -> ()
    %dma_wait3A_41 = arith.constant 1 : i32
    %dma_wait3A_42 = arith.constant 1 : i32
    %dma_wait3A_43 = arith.constant 0 : i32
    %dma_wait3A_44 = arith.constant 0 : i32
    %dma_wait3A_45 = tpu.memref_slice %arg6[%dma_wait3A_42, %dma_wait3A_43, %dma_wait3A_44] : memref<2x128x256xf32, #tpu.memory_space<vmem>> -> memref<1x128x256xf32, #tpu.memory_space<vmem>>
    %dma_wait3A_46 = tpu.memref_squeeze %dma_wait3A_45 : memref<1x128x256xf32, #tpu.memory_space<vmem>> -> memref<128x256xf32, #tpu.memory_space<vmem>>
    %dma_wait3A_47 = arith.constant 0 : i32
    %dma_wait3A_48 = tpu.memref_slice %arg5[%dma_wait3A_41, %dma_wait3A_47] : memref<2x128xi32, #tpu.memory_space<vmem>> -> memref<1x128xi32, #tpu.memory_space<vmem>>
    %dma_wait3A_49 = tpu.memref_squeeze %dma_wait3A_48 : memref<1x128xi32, #tpu.memory_space<vmem>> -> memref<128xi32, #tpu.memory_space<vmem>>
    %dma_wait3A_50 = arith.constant 0 : i32
    %dma_wait3A_51 = arith.constant 0 : i32
    %dma_wait3A_52 = tpu.memref_slice %arg2[%dma_wait3A_50, %dma_wait3A_51] : memref<1024x256xf32, #tpu.memory_space<hbm>> -> memref<1024x256xf32, #tpu.memory_space<hbm>>
    tpu.wait_indirect_dma semaphore(%arg7 : memref<!tpu.dma_semaphore, #tpu.memory_space<semaphore_mem>>) src(%dma_wait3A_52 : memref<1024x256xf32, #tpu.memory_space<hbm>>) dst(%dma_wait3A_46 : memref<128x256xf32, #tpu.memory_space<vmem>>)
    %add3A_53 = arith.constant 128 : i32
    %add3A_54 = arith.addi %add3A_4, %add3A_53 : i32
    %run_scoped3A_55 = arith.constant 1 : i32
    "tpu.region"() ({
      %run_scoped3A_56 = tpu.sem_alloc : memref<!tpu.dma_semaphore, #tpu.memory_space<semaphore_mem>>
      %dma_start3A_57 = arith.constant 0 : i32
      %dma_start3A_58 = arith.constant 0 : i32
      %dma_start3A_59 = tpu.memref_slice %arg6[%run_scoped3A_55, %dma_start3A_57, %dma_start3A_58] : memref<2x128x256xf32, #tpu.memory_space<vmem>> -> memref<1x128x256xf32, #tpu.memory_space<vmem>>
      %dma_start3A_60 = tpu.memref_squeeze %dma_start3A_59 : memref<1x128x256xf32, #tpu.memory_space<vmem>> -> memref<128x256xf32, #tpu.memory_space<vmem>>
      %dma_start3A_61 = arith.constant 0 : i32
      %dma_start3A_62 = tpu.memref_slice %arg4[%add3A_54, %dma_start3A_61] : memref<32768x256xf32, #tpu.memory_space<hbm>> -> memref<128x256xf32, #tpu.memory_space<hbm>>
      %dma_start3A_63 = arith.constant 0 : i32
      %dma_start3A_64 = tpu.memref_slice %arg4[%add3A_54, %dma_start3A_63] : memref<32768x256xf32, #tpu.memory_space<hbm>> -> memref<128x256xf32, #tpu.memory_space<hbm>>
      %dma_start3A_65 = arith.constant 0 : i32
      %dma_start3A_66 = arith.constant 0 : i32
      %dma_start3A_67 = tpu.memref_slice %arg6[%run_scoped3A_55, %dma_start3A_65, %dma_start3A_66] : memref<2x128x256xf32, #tpu.memory_space<vmem>> -> memref<1x128x256xf32, #tpu.memory_space<vmem>>
      %dma_start3A_68 = tpu.memref_squeeze %dma_start3A_67 : memref<1x128x256xf32, #tpu.memory_space<vmem>> -> memref<128x256xf32, #tpu.memory_space<vmem>>
      tpu.enqueue_dma source(%dma_start3A_68 : memref<128x256xf32, #tpu.memory_space<vmem>>) target(%dma_start3A_64 : memref<128x256xf32, #tpu.memory_space<hbm>>) target_semaphore(%run_scoped3A_56 : memref<!tpu.dma_semaphore, #tpu.memory_space<semaphore_mem>>)
      %dma_wait3A_69 = arith.constant 0 : i32
      %dma_wait3A_70 = arith.constant 0 : i32
      %dma_wait3A_71 = tpu.memref_slice %arg6[%run_scoped3A_55, %dma_wait3A_69, %dma_wait3A_70] : memref<2x128x256xf32, #tpu.memory_space<vmem>> -> memref<1x128x256xf32, #tpu.memory_space<vmem>>
      %dma_wait3A_72 = tpu.memref_squeeze %dma_wait3A_71 : memref<1x128x256xf32, #tpu.memory_space<vmem>> -> memref<128x256xf32, #tpu.memory_space<vmem>>
      %dma_wait3A_73 = arith.constant 0 : i32
      %dma_wait3A_74 = tpu.memref_slice %arg4[%add3A_54, %dma_wait3A_73] : memref<32768x256xf32, #tpu.memory_space<hbm>> -> memref<128x256xf32, #tpu.memory_space<hbm>>
      %dma_wait3A_75 = arith.constant 0 : i32
      %dma_wait3A_76 = tpu.memref_slice %arg4[%add3A_54, %dma_wait3A_75] : memref<32768x256xf32, #tpu.memory_space<hbm>> -> memref<128x256xf32, #tpu.memory_space<hbm>>
      %dma_wait3A_77 = arith.constant 0 : i32
      %dma_wait3A_78 = arith.constant 0 : i32
      %dma_wait3A_79 = tpu.memref_slice %arg6[%run_scoped3A_55, %dma_wait3A_77, %dma_wait3A_78] : memref<2x128x256xf32, #tpu.memory_space<vmem>> -> memref<1x128x256xf32, #tpu.memory_space<vmem>>
      %dma_wait3A_80 = tpu.memref_squeeze %dma_wait3A_79 : memref<1x128x256xf32, #tpu.memory_space<vmem>> -> memref<128x256xf32, #tpu.memory_space<vmem>>
      tpu.wait_dma2 semaphore(%run_scoped3A_56 : memref<!tpu.dma_semaphore, #tpu.memory_space<semaphore_mem>>) src(%dma_wait3A_80 : memref<128x256xf32, #tpu.memory_space<vmem>>) dst(%dma_wait3A_76 : memref<128x256xf32, #tpu.memory_space<hbm>>)
      tpu.yield
    }) : () -> ()
    return
  }
}

#map = affine_map<(d0, d1) -> (0, 0)>
#map1 = affine_map<(d0, d1) -> (0, 0, 0)>
module attributes {stable_mosaic.version = 14 : i64} {
  func.func @new_body(%arg0: i32, %arg1: i32, %arg2: memref<1024x256xf32, #tpu.memory_space<hbm>>, %arg3: memref<32x2x128xi32, #tpu.memory_space<hbm>>, %arg4: memref<32768x256xf32, #tpu.memory_space<hbm>>, %arg5: memref<32768x256xf32, #tpu.memory_space<hbm>>, %arg6: memref<2x128xi32, #tpu.memory_space<vmem>>, %arg7: memref<2x128x256xf32, #tpu.memory_space<vmem>>, %arg8: memref<!tpu.dma_semaphore, #tpu.memory_space<semaphore_mem>>) attributes {dimension_semantics = [#tpu.dimension_semantics<core_parallel>, #tpu.dimension_semantics<subcore_parallel>], iteration_bounds = array<i64: 2, 16>, scalar_prefetch = 0 : i64, scratch_operands = 3 : i64, tpu.core_type = #tpu.core_type<sc_vector_subcore>, window_params = [{transform_indices = #map}, {transform_indices = #map1}, {transform_indices = #map}, {transform_indices = #map}]} {
    %mul3A = arith.constant 2 : i32
    %mul3A_0 = arith.muli %arg1, %mul3A : i32
    %add3A = arith.addi %mul3A_0, %arg0 : i32
    %mul3A_1 = arith.constant 256 : i32
    %mul3A_2 = arith.muli %add3A, %mul3A_1 : i32
    %add3A_3 = arith.constant 16384 : i32
    %add3A_4 = arith.addi %add3A_3, %mul3A_2 : i32
    "tpu.region"() ({
      %run_scoped3A_56 = tpu.sem_alloc : memref<!tpu.dma_semaphore, #tpu.memory_space<semaphore_mem>>
      %dma_start3A_57 = arith.constant 0 : i32
      %dma_start3A_58 = arith.constant 0 : i32
      %dma_start3A_59 = tpu.memref_slice %arg3[%add3A, %dma_start3A_57, %dma_start3A_58] : memref<32x2x128xi32, #tpu.memory_space<hbm>> -> memref<1x2x128xi32, #tpu.memory_space<hbm>>
      %dma_start3A_60 = tpu.memref_squeeze %dma_start3A_59 : memref<1x2x128xi32, #tpu.memory_space<hbm>> -> memref<2x128xi32, #tpu.memory_space<hbm>>
      %dma_start3A_61 = arith.constant 0 : i32
      %dma_start3A_62 = arith.constant 0 : i32
      %dma_start3A_63 = tpu.memref_slice %arg3[%add3A, %dma_start3A_61, %dma_start3A_62] : memref<32x2x128xi32, #tpu.memory_space<hbm>> -> memref<1x2x128xi32, #tpu.memory_space<hbm>>
      %dma_start3A_64 = tpu.memref_squeeze %dma_start3A_63 : memref<1x2x128xi32, #tpu.memory_space<hbm>> -> memref<2x128xi32, #tpu.memory_space<hbm>>
      tpu.enqueue_dma source(%dma_start3A_64 : memref<2x128xi32, #tpu.memory_space<hbm>>) target(%arg6 : memref<2x128xi32, #tpu.memory_space<vmem>>) target_semaphore(%run_scoped3A_56 : memref<!tpu.dma_semaphore, #tpu.memory_space<semaphore_mem>>)
      %dma_wait3A_65 = arith.constant 0 : i32
      %dma_wait3A_66 = arith.constant 0 : i32
      %dma_wait3A_67 = tpu.memref_slice %arg3[%add3A, %dma_wait3A_65, %dma_wait3A_66] : memref<32x2x128xi32, #tpu.memory_space<hbm>> -> memref<1x2x128xi32, #tpu.memory_space<hbm>>
      %dma_wait3A_68 = tpu.memref_squeeze %dma_wait3A_67 : memref<1x2x128xi32, #tpu.memory_space<hbm>> -> memref<2x128xi32, #tpu.memory_space<hbm>>
      %dma_wait3A_69 = arith.constant 0 : i32
      %dma_wait3A_70 = arith.constant 0 : i32
      %dma_wait3A_71 = tpu.memref_slice %arg3[%add3A, %dma_wait3A_69, %dma_wait3A_70] : memref<32x2x128xi32, #tpu.memory_space<hbm>> -> memref<1x2x128xi32, #tpu.memory_space<hbm>>
      %dma_wait3A_72 = tpu.memref_squeeze %dma_wait3A_71 : memref<1x2x128xi32, #tpu.memory_space<hbm>> -> memref<2x128xi32, #tpu.memory_space<hbm>>
      tpu.wait_dma2 semaphore(%run_scoped3A_56 : memref<!tpu.dma_semaphore, #tpu.memory_space<semaphore_mem>>) src(%dma_wait3A_72 : memref<2x128xi32, #tpu.memory_space<hbm>>) dst(%arg6 : memref<2x128xi32, #tpu.memory_space<vmem>>)
      tpu.yield
    }) : () -> ()
    %dma_start3A = arith.constant 0 : i32
    %dma_start3A_5 = arith.constant 0 : i32
    %dma_start3A_6 = arith.constant 0 : i32
    %dma_start3A_7 = arith.constant 0 : i32
    %dma_start3A_8 = tpu.memref_slice %arg7[%dma_start3A_5, %dma_start3A_6, %dma_start3A_7] : memref<2x128x256xf32, #tpu.memory_space<vmem>> -> memref<1x128x256xf32, #tpu.memory_space<vmem>>
    %dma_start3A_9 = tpu.memref_squeeze %dma_start3A_8 : memref<1x128x256xf32, #tpu.memory_space<vmem>> -> memref<128x256xf32, #tpu.memory_space<vmem>>
    %dma_start3A_10 = arith.constant 0 : i32
    %dma_start3A_11 = tpu.memref_slice %arg6[%dma_start3A, %dma_start3A_10] : memref<2x128xi32, #tpu.memory_space<vmem>> -> memref<1x128xi32, #tpu.memory_space<vmem>>
    %dma_start3A_12 = tpu.memref_squeeze %dma_start3A_11 : memref<1x128xi32, #tpu.memory_space<vmem>> -> memref<128xi32, #tpu.memory_space<vmem>>
    %dma_start3A_13 = arith.constant 0 : i32
    %dma_start3A_14 = arith.constant 0 : i32
    %dma_start3A_15 = tpu.memref_slice %arg2[%dma_start3A_13, %dma_start3A_14] : memref<1024x256xf32, #tpu.memory_space<hbm>> -> memref<1024x256xf32, #tpu.memory_space<hbm>>
    tpu.enqueue_indirect_dma source(%dma_start3A_15 : memref<1024x256xf32, #tpu.memory_space<hbm>>) target(%dma_start3A_9 : memref<128x256xf32, #tpu.memory_space<vmem>>) offsets(%dma_start3A_12 : memref<128xi32, #tpu.memory_space<vmem>>) semaphore(%arg8 : memref<!tpu.dma_semaphore, #tpu.memory_space<semaphore_mem>>)
    %dma_start3A_16 = arith.constant 1 : i32
    %dma_start3A_17 = arith.constant 1 : i32
    %dma_start3A_18 = arith.constant 0 : i32
    %dma_start3A_19 = arith.constant 0 : i32
    %dma_start3A_20 = tpu.memref_slice %arg7[%dma_start3A_17, %dma_start3A_18, %dma_start3A_19] : memref<2x128x256xf32, #tpu.memory_space<vmem>> -> memref<1x128x256xf32, #tpu.memory_space<vmem>>
    %dma_start3A_21 = tpu.memref_squeeze %dma_start3A_20 : memref<1x128x256xf32, #tpu.memory_space<vmem>> -> memref<128x256xf32, #tpu.memory_space<vmem>>
    %dma_start3A_22 = arith.constant 0 : i32
    %dma_start3A_23 = tpu.memref_slice %arg6[%dma_start3A_16, %dma_start3A_22] : memref<2x128xi32, #tpu.memory_space<vmem>> -> memref<1x128xi32, #tpu.memory_space<vmem>>
    %dma_start3A_24 = tpu.memref_squeeze %dma_start3A_23 : memref<1x128xi32, #tpu.memory_space<vmem>> -> memref<128xi32, #tpu.memory_space<vmem>>
    %dma_start3A_25 = arith.constant 0 : i32
    %dma_start3A_26 = arith.constant 0 : i32
    %dma_start3A_27 = tpu.memref_slice %arg2[%dma_start3A_25, %dma_start3A_26] : memref<1024x256xf32, #tpu.memory_space<hbm>> -> memref<1024x256xf32, #tpu.memory_space<hbm>>
    tpu.enqueue_indirect_dma source(%dma_start3A_27 : memref<1024x256xf32, #tpu.memory_space<hbm>>) target(%dma_start3A_21 : memref<128x256xf32, #tpu.memory_space<vmem>>) offsets(%dma_start3A_24 : memref<128xi32, #tpu.memory_space<vmem>>) semaphore(%arg8 : memref<!tpu.dma_semaphore, #tpu.memory_space<semaphore_mem>>)
    %dma_wait3A = arith.constant 0 : i32
    %dma_wait3A_28 = arith.constant 0 : i32
    %dma_wait3A_29 = arith.constant 0 : i32
    %dma_wait3A_30 = arith.constant 0 : i32
    %dma_wait3A_31 = tpu.memref_slice %arg7[%dma_wait3A_28, %dma_wait3A_29, %dma_wait3A_30] : memref<2x128x256xf32, #tpu.memory_space<vmem>> -> memref<1x128x256xf32, #tpu.memory_space<vmem>>
    %dma_wait3A_32 = tpu.memref_squeeze %dma_wait3A_31 : memref<1x128x256xf32, #tpu.memory_space<vmem>> -> memref<128x256xf32, #tpu.memory_space<vmem>>
    %dma_wait3A_33 = arith.constant 0 : i32
    %dma_wait3A_34 = tpu.memref_slice %arg6[%dma_wait3A, %dma_wait3A_33] : memref<2x128xi32, #tpu.memory_space<vmem>> -> memref<1x128xi32, #tpu.memory_space<vmem>>
    %dma_wait3A_35 = tpu.memref_squeeze %dma_wait3A_34 : memref<1x128xi32, #tpu.memory_space<vmem>> -> memref<128xi32, #tpu.memory_space<vmem>>
    %dma_wait3A_36 = arith.constant 0 : i32
    %dma_wait3A_37 = arith.constant 0 : i32
    %dma_wait3A_38 = tpu.memref_slice %arg2[%dma_wait3A_36, %dma_wait3A_37] : memref<1024x256xf32, #tpu.memory_space<hbm>> -> memref<1024x256xf32, #tpu.memory_space<hbm>>
    tpu.wait_indirect_dma semaphore(%arg8 : memref<!tpu.dma_semaphore, #tpu.memory_space<semaphore_mem>>) src(%dma_wait3A_38 : memref<1024x256xf32, #tpu.memory_space<hbm>>) dst(%dma_wait3A_32 : memref<128x256xf32, #tpu.memory_space<vmem>>)
    %add3A_39 = arith.constant 0 : i32
    %add3A_40 = arith.addi %add3A_4, %add3A_39 : i32
    %run_scoped3A = arith.constant 0 : i32
    "tpu.region"() ({
      %run_scoped3A_56 = tpu.sem_alloc : memref<!tpu.dma_semaphore, #tpu.memory_space<semaphore_mem>>
      %dma_start3A_57 = arith.constant 0 : i32
      %dma_start3A_58 = arith.constant 0 : i32
      %dma_start3A_59 = tpu.memref_slice %arg7[%run_scoped3A, %dma_start3A_57, %dma_start3A_58] : memref<2x128x256xf32, #tpu.memory_space<vmem>> -> memref<1x128x256xf32, #tpu.memory_space<vmem>>
      %dma_start3A_60 = tpu.memref_squeeze %dma_start3A_59 : memref<1x128x256xf32, #tpu.memory_space<vmem>> -> memref<128x256xf32, #tpu.memory_space<vmem>>
      %dma_start3A_61 = arith.constant 0 : i32
      %dma_start3A_62 = tpu.memref_slice %arg4[%add3A_40, %dma_start3A_61] : memref<32768x256xf32, #tpu.memory_space<hbm>> -> memref<128x256xf32, #tpu.memory_space<hbm>>
      %dma_start3A_63 = arith.constant 0 : i32
      %dma_start3A_64 = tpu.memref_slice %arg4[%add3A_40, %dma_start3A_63] : memref<32768x256xf32, #tpu.memory_space<hbm>> -> memref<128x256xf32, #tpu.memory_space<hbm>>
      %dma_start3A_65 = arith.constant 0 : i32
      %dma_start3A_66 = arith.constant 0 : i32
      %dma_start3A_67 = tpu.memref_slice %arg7[%run_scoped3A, %dma_start3A_65, %dma_start3A_66] : memref<2x128x256xf32, #tpu.memory_space<vmem>> -> memref<1x128x256xf32, #tpu.memory_space<vmem>>
      %dma_start3A_68 = tpu.memref_squeeze %dma_start3A_67 : memref<1x128x256xf32, #tpu.memory_space<vmem>> -> memref<128x256xf32, #tpu.memory_space<vmem>>
      tpu.enqueue_dma source(%dma_start3A_68 : memref<128x256xf32, #tpu.memory_space<vmem>>) target(%dma_start3A_64 : memref<128x256xf32, #tpu.memory_space<hbm>>) target_semaphore(%run_scoped3A_56 : memref<!tpu.dma_semaphore, #tpu.memory_space<semaphore_mem>>)
      %dma_wait3A_69 = arith.constant 0 : i32
      %dma_wait3A_70 = arith.constant 0 : i32
      %dma_wait3A_71 = tpu.memref_slice %arg7[%run_scoped3A, %dma_wait3A_69, %dma_wait3A_70] : memref<2x128x256xf32, #tpu.memory_space<vmem>> -> memref<1x128x256xf32, #tpu.memory_space<vmem>>
      %dma_wait3A_72 = tpu.memref_squeeze %dma_wait3A_71 : memref<1x128x256xf32, #tpu.memory_space<vmem>> -> memref<128x256xf32, #tpu.memory_space<vmem>>
      %dma_wait3A_73 = arith.constant 0 : i32
      %dma_wait3A_74 = tpu.memref_slice %arg4[%add3A_40, %dma_wait3A_73] : memref<32768x256xf32, #tpu.memory_space<hbm>> -> memref<128x256xf32, #tpu.memory_space<hbm>>
      %dma_wait3A_75 = arith.constant 0 : i32
      %dma_wait3A_76 = tpu.memref_slice %arg4[%add3A_40, %dma_wait3A_75] : memref<32768x256xf32, #tpu.memory_space<hbm>> -> memref<128x256xf32, #tpu.memory_space<hbm>>
      %dma_wait3A_77 = arith.constant 0 : i32
      %dma_wait3A_78 = arith.constant 0 : i32
      %dma_wait3A_79 = tpu.memref_slice %arg7[%run_scoped3A, %dma_wait3A_77, %dma_wait3A_78] : memref<2x128x256xf32, #tpu.memory_space<vmem>> -> memref<1x128x256xf32, #tpu.memory_space<vmem>>
      %dma_wait3A_80 = tpu.memref_squeeze %dma_wait3A_79 : memref<1x128x256xf32, #tpu.memory_space<vmem>> -> memref<128x256xf32, #tpu.memory_space<vmem>>
      tpu.wait_dma2 semaphore(%run_scoped3A_56 : memref<!tpu.dma_semaphore, #tpu.memory_space<semaphore_mem>>) src(%dma_wait3A_80 : memref<128x256xf32, #tpu.memory_space<vmem>>) dst(%dma_wait3A_76 : memref<128x256xf32, #tpu.memory_space<hbm>>)
      tpu.yield
    }) : () -> ()
    %dma_wait3A_41 = arith.constant 1 : i32
    %dma_wait3A_42 = arith.constant 1 : i32
    %dma_wait3A_43 = arith.constant 0 : i32
    %dma_wait3A_44 = arith.constant 0 : i32
    %dma_wait3A_45 = tpu.memref_slice %arg7[%dma_wait3A_42, %dma_wait3A_43, %dma_wait3A_44] : memref<2x128x256xf32, #tpu.memory_space<vmem>> -> memref<1x128x256xf32, #tpu.memory_space<vmem>>
    %dma_wait3A_46 = tpu.memref_squeeze %dma_wait3A_45 : memref<1x128x256xf32, #tpu.memory_space<vmem>> -> memref<128x256xf32, #tpu.memory_space<vmem>>
    %dma_wait3A_47 = arith.constant 0 : i32
    %dma_wait3A_48 = tpu.memref_slice %arg6[%dma_wait3A_41, %dma_wait3A_47] : memref<2x128xi32, #tpu.memory_space<vmem>> -> memref<1x128xi32, #tpu.memory_space<vmem>>
    %dma_wait3A_49 = tpu.memref_squeeze %dma_wait3A_48 : memref<1x128xi32, #tpu.memory_space<vmem>> -> memref<128xi32, #tpu.memory_space<vmem>>
    %dma_wait3A_50 = arith.constant 0 : i32
    %dma_wait3A_51 = arith.constant 0 : i32
    %dma_wait3A_52 = tpu.memref_slice %arg2[%dma_wait3A_50, %dma_wait3A_51] : memref<1024x256xf32, #tpu.memory_space<hbm>> -> memref<1024x256xf32, #tpu.memory_space<hbm>>
    tpu.wait_indirect_dma semaphore(%arg8 : memref<!tpu.dma_semaphore, #tpu.memory_space<semaphore_mem>>) src(%dma_wait3A_52 : memref<1024x256xf32, #tpu.memory_space<hbm>>) dst(%dma_wait3A_46 : memref<128x256xf32, #tpu.memory_space<vmem>>)
    %add3A_53 = arith.constant 128 : i32
    %add3A_54 = arith.addi %add3A_4, %add3A_53 : i32
    %run_scoped3A_55 = arith.constant 1 : i32
    "tpu.region"() ({
      %run_scoped3A_56 = tpu.sem_alloc : memref<!tpu.dma_semaphore, #tpu.memory_space<semaphore_mem>>
      %dma_start3A_57 = arith.constant 0 : i32
      %dma_start3A_58 = arith.constant 0 : i32
      %dma_start3A_59 = tpu.memref_slice %arg7[%run_scoped3A_55, %dma_start3A_57, %dma_start3A_58] : memref<2x128x256xf32, #tpu.memory_space<vmem>> -> memref<1x128x256xf32, #tpu.memory_space<vmem>>
      %dma_start3A_60 = tpu.memref_squeeze %dma_start3A_59 : memref<1x128x256xf32, #tpu.memory_space<vmem>> -> memref<128x256xf32, #tpu.memory_space<vmem>>
      %dma_start3A_61 = arith.constant 0 : i32
      %dma_start3A_62 = tpu.memref_slice %arg4[%add3A_54, %dma_start3A_61] : memref<32768x256xf32, #tpu.memory_space<hbm>> -> memref<128x256xf32, #tpu.memory_space<hbm>>
      %dma_start3A_63 = arith.constant 0 : i32
      %dma_start3A_64 = tpu.memref_slice %arg4[%add3A_54, %dma_start3A_63] : memref<32768x256xf32, #tpu.memory_space<hbm>> -> memref<128x256xf32, #tpu.memory_space<hbm>>
      %dma_start3A_65 = arith.constant 0 : i32
      %dma_start3A_66 = arith.constant 0 : i32
      %dma_start3A_67 = tpu.memref_slice %arg7[%run_scoped3A_55, %dma_start3A_65, %dma_start3A_66] : memref<2x128x256xf32, #tpu.memory_space<vmem>> -> memref<1x128x256xf32, #tpu.memory_space<vmem>>
      %dma_start3A_68 = tpu.memref_squeeze %dma_start3A_67 : memref<1x128x256xf32, #tpu.memory_space<vmem>> -> memref<128x256xf32, #tpu.memory_space<vmem>>
      tpu.enqueue_dma source(%dma_start3A_68 : memref<128x256xf32, #tpu.memory_space<vmem>>) target(%dma_start3A_64 : memref<128x256xf32, #tpu.memory_space<hbm>>) target_semaphore(%run_scoped3A_56 : memref<!tpu.dma_semaphore, #tpu.memory_space<semaphore_mem>>)
      %dma_wait3A_69 = arith.constant 0 : i32
      %dma_wait3A_70 = arith.constant 0 : i32
      %dma_wait3A_71 = tpu.memref_slice %arg7[%run_scoped3A_55, %dma_wait3A_69, %dma_wait3A_70] : memref<2x128x256xf32, #tpu.memory_space<vmem>> -> memref<1x128x256xf32, #tpu.memory_space<vmem>>
      %dma_wait3A_72 = tpu.memref_squeeze %dma_wait3A_71 : memref<1x128x256xf32, #tpu.memory_space<vmem>> -> memref<128x256xf32, #tpu.memory_space<vmem>>
      %dma_wait3A_73 = arith.constant 0 : i32
      %dma_wait3A_74 = tpu.memref_slice %arg4[%add3A_54, %dma_wait3A_73] : memref<32768x256xf32, #tpu.memory_space<hbm>> -> memref<128x256xf32, #tpu.memory_space<hbm>>
      %dma_wait3A_75 = arith.constant 0 : i32
      %dma_wait3A_76 = tpu.memref_slice %arg4[%add3A_54, %dma_wait3A_75] : memref<32768x256xf32, #tpu.memory_space<hbm>> -> memref<128x256xf32, #tpu.memory_space<hbm>>
      %dma_wait3A_77 = arith.constant 0 : i32
      %dma_wait3A_78 = arith.constant 0 : i32
      %dma_wait3A_79 = tpu.memref_slice %arg7[%run_scoped3A_55, %dma_wait3A_77, %dma_wait3A_78] : memref<2x128x256xf32, #tpu.memory_space<vmem>> -> memref<1x128x256xf32, #tpu.memory_space<vmem>>
      %dma_wait3A_80 = tpu.memref_squeeze %dma_wait3A_79 : memref<1x128x256xf32, #tpu.memory_space<vmem>> -> memref<128x256xf32, #tpu.memory_space<vmem>>
      tpu.wait_dma2 semaphore(%run_scoped3A_56 : memref<!tpu.dma_semaphore, #tpu.memory_space<semaphore_mem>>) src(%dma_wait3A_80 : memref<128x256xf32, #tpu.memory_space<vmem>>) dst(%dma_wait3A_76 : memref<128x256xf32, #tpu.memory_space<hbm>>)
      tpu.yield
    }) : () -> ()
    return
  }
}

#map = affine_map<(d0, d1) -> (0, 0)>
#map1 = affine_map<(d0, d1) -> (0, 0, 0)>
module attributes {stable_mosaic.version = 14 : i64} {
  func.func @new_body(%arg0: i32, %arg1: i32, %arg2: memref<1024x256xf32, #tpu.memory_space<hbm>>, %arg3: memref<32x2x128xi32, #tpu.memory_space<hbm>>, %arg4: memref<32768x256xf32, #tpu.memory_space<hbm>>, %arg5: memref<32768x256xf32, #tpu.memory_space<hbm>>, %arg6: memref<2x128xi32, #tpu.memory_space<vmem>>, %arg7: memref<2x128x256xf32, #tpu.memory_space<vmem>>, %arg8: memref<!tpu.dma_semaphore, #tpu.memory_space<semaphore_mem>>) attributes {dimension_semantics = [#tpu.dimension_semantics<core_parallel>, #tpu.dimension_semantics<subcore_parallel>], iteration_bounds = array<i64: 2, 16>, scalar_prefetch = 0 : i64, scratch_operands = 3 : i64, tpu.core_type = #tpu.core_type<sc_vector_subcore>, window_params = [{transform_indices = #map}, {transform_indices = #map1}, {transform_indices = #map}, {transform_indices = #map}]} {
    %mul3A = arith.constant 2 : i32
    %mul3A_0 = arith.muli %arg1, %mul3A : i32
    %add3A = arith.addi %mul3A_0, %arg0 : i32
    %mul3A_1 = arith.constant 256 : i32
    %mul3A_2 = arith.muli %add3A, %mul3A_1 : i32
    %add3A_3 = arith.constant 8192 : i32
    %add3A_4 = arith.addi %add3A_3, %mul3A_2 : i32
    "tpu.region"() ({
      %run_scoped3A_56 = tpu.sem_alloc : memref<!tpu.dma_semaphore, #tpu.memory_space<semaphore_mem>>
      %dma_start3A_57 = arith.constant 0 : i32
      %dma_start3A_58 = arith.constant 0 : i32
      %dma_start3A_59 = tpu.memref_slice %arg3[%add3A, %dma_start3A_57, %dma_start3A_58] : memref<32x2x128xi32, #tpu.memory_space<hbm>> -> memref<1x2x128xi32, #tpu.memory_space<hbm>>
      %dma_start3A_60 = tpu.memref_squeeze %dma_start3A_59 : memref<1x2x128xi32, #tpu.memory_space<hbm>> -> memref<2x128xi32, #tpu.memory_space<hbm>>
      %dma_start3A_61 = arith.constant 0 : i32
      %dma_start3A_62 = arith.constant 0 : i32
      %dma_start3A_63 = tpu.memref_slice %arg3[%add3A, %dma_start3A_61, %dma_start3A_62] : memref<32x2x128xi32, #tpu.memory_space<hbm>> -> memref<1x2x128xi32, #tpu.memory_space<hbm>>
      %dma_start3A_64 = tpu.memref_squeeze %dma_start3A_63 : memref<1x2x128xi32, #tpu.memory_space<hbm>> -> memref<2x128xi32, #tpu.memory_space<hbm>>
      tpu.enqueue_dma source(%dma_start3A_64 : memref<2x128xi32, #tpu.memory_space<hbm>>) target(%arg6 : memref<2x128xi32, #tpu.memory_space<vmem>>) target_semaphore(%run_scoped3A_56 : memref<!tpu.dma_semaphore, #tpu.memory_space<semaphore_mem>>)
      %dma_wait3A_65 = arith.constant 0 : i32
      %dma_wait3A_66 = arith.constant 0 : i32
      %dma_wait3A_67 = tpu.memref_slice %arg3[%add3A, %dma_wait3A_65, %dma_wait3A_66] : memref<32x2x128xi32, #tpu.memory_space<hbm>> -> memref<1x2x128xi32, #tpu.memory_space<hbm>>
      %dma_wait3A_68 = tpu.memref_squeeze %dma_wait3A_67 : memref<1x2x128xi32, #tpu.memory_space<hbm>> -> memref<2x128xi32, #tpu.memory_space<hbm>>
      %dma_wait3A_69 = arith.constant 0 : i32
      %dma_wait3A_70 = arith.constant 0 : i32
      %dma_wait3A_71 = tpu.memref_slice %arg3[%add3A, %dma_wait3A_69, %dma_wait3A_70] : memref<32x2x128xi32, #tpu.memory_space<hbm>> -> memref<1x2x128xi32, #tpu.memory_space<hbm>>
      %dma_wait3A_72 = tpu.memref_squeeze %dma_wait3A_71 : memref<1x2x128xi32, #tpu.memory_space<hbm>> -> memref<2x128xi32, #tpu.memory_space<hbm>>
      tpu.wait_dma2 semaphore(%run_scoped3A_56 : memref<!tpu.dma_semaphore, #tpu.memory_space<semaphore_mem>>) src(%dma_wait3A_72 : memref<2x128xi32, #tpu.memory_space<hbm>>) dst(%arg6 : memref<2x128xi32, #tpu.memory_space<vmem>>)
      tpu.yield
    }) : () -> ()
    %dma_start3A = arith.constant 0 : i32
    %dma_start3A_5 = arith.constant 0 : i32
    %dma_start3A_6 = arith.constant 0 : i32
    %dma_start3A_7 = arith.constant 0 : i32
    %dma_start3A_8 = tpu.memref_slice %arg7[%dma_start3A_5, %dma_start3A_6, %dma_start3A_7] : memref<2x128x256xf32, #tpu.memory_space<vmem>> -> memref<1x128x256xf32, #tpu.memory_space<vmem>>
    %dma_start3A_9 = tpu.memref_squeeze %dma_start3A_8 : memref<1x128x256xf32, #tpu.memory_space<vmem>> -> memref<128x256xf32, #tpu.memory_space<vmem>>
    %dma_start3A_10 = arith.constant 0 : i32
    %dma_start3A_11 = tpu.memref_slice %arg6[%dma_start3A, %dma_start3A_10] : memref<2x128xi32, #tpu.memory_space<vmem>> -> memref<1x128xi32, #tpu.memory_space<vmem>>
    %dma_start3A_12 = tpu.memref_squeeze %dma_start3A_11 : memref<1x128xi32, #tpu.memory_space<vmem>> -> memref<128xi32, #tpu.memory_space<vmem>>
    %dma_start3A_13 = arith.constant 0 : i32
    %dma_start3A_14 = arith.constant 0 : i32
    %dma_start3A_15 = tpu.memref_slice %arg2[%dma_start3A_13, %dma_start3A_14] : memref<1024x256xf32, #tpu.memory_space<hbm>> -> memref<1024x256xf32, #tpu.memory_space<hbm>>
    tpu.enqueue_indirect_dma source(%dma_start3A_15 : memref<1024x256xf32, #tpu.memory_space<hbm>>) target(%dma_start3A_9 : memref<128x256xf32, #tpu.memory_space<vmem>>) offsets(%dma_start3A_12 : memref<128xi32, #tpu.memory_space<vmem>>) semaphore(%arg8 : memref<!tpu.dma_semaphore, #tpu.memory_space<semaphore_mem>>)
    %dma_start3A_16 = arith.constant 1 : i32
    %dma_start3A_17 = arith.constant 1 : i32
    %dma_start3A_18 = arith.constant 0 : i32
    %dma_start3A_19 = arith.constant 0 : i32
    %dma_start3A_20 = tpu.memref_slice %arg7[%dma_start3A_17, %dma_start3A_18, %dma_start3A_19] : memref<2x128x256xf32, #tpu.memory_space<vmem>> -> memref<1x128x256xf32, #tpu.memory_space<vmem>>
    %dma_start3A_21 = tpu.memref_squeeze %dma_start3A_20 : memref<1x128x256xf32, #tpu.memory_space<vmem>> -> memref<128x256xf32, #tpu.memory_space<vmem>>
    %dma_start3A_22 = arith.constant 0 : i32
    %dma_start3A_23 = tpu.memref_slice %arg6[%dma_start3A_16, %dma_start3A_22] : memref<2x128xi32, #tpu.memory_space<vmem>> -> memref<1x128xi32, #tpu.memory_space<vmem>>
    %dma_start3A_24 = tpu.memref_squeeze %dma_start3A_23 : memref<1x128xi32, #tpu.memory_space<vmem>> -> memref<128xi32, #tpu.memory_space<vmem>>
    %dma_start3A_25 = arith.constant 0 : i32
    %dma_start3A_26 = arith.constant 0 : i32
    %dma_start3A_27 = tpu.memref_slice %arg2[%dma_start3A_25, %dma_start3A_26] : memref<1024x256xf32, #tpu.memory_space<hbm>> -> memref<1024x256xf32, #tpu.memory_space<hbm>>
    tpu.enqueue_indirect_dma source(%dma_start3A_27 : memref<1024x256xf32, #tpu.memory_space<hbm>>) target(%dma_start3A_21 : memref<128x256xf32, #tpu.memory_space<vmem>>) offsets(%dma_start3A_24 : memref<128xi32, #tpu.memory_space<vmem>>) semaphore(%arg8 : memref<!tpu.dma_semaphore, #tpu.memory_space<semaphore_mem>>)
    %dma_wait3A = arith.constant 0 : i32
    %dma_wait3A_28 = arith.constant 0 : i32
    %dma_wait3A_29 = arith.constant 0 : i32
    %dma_wait3A_30 = arith.constant 0 : i32
    %dma_wait3A_31 = tpu.memref_slice %arg7[%dma_wait3A_28, %dma_wait3A_29, %dma_wait3A_30] : memref<2x128x256xf32, #tpu.memory_space<vmem>> -> memref<1x128x256xf32, #tpu.memory_space<vmem>>
    %dma_wait3A_32 = tpu.memref_squeeze %dma_wait3A_31 : memref<1x128x256xf32, #tpu.memory_space<vmem>> -> memref<128x256xf32, #tpu.memory_space<vmem>>
    %dma_wait3A_33 = arith.constant 0 : i32
    %dma_wait3A_34 = tpu.memref_slice %arg6[%dma_wait3A, %dma_wait3A_33] : memref<2x128xi32, #tpu.memory_space<vmem>> -> memref<1x128xi32, #tpu.memory_space<vmem>>
    %dma_wait3A_35 = tpu.memref_squeeze %dma_wait3A_34 : memref<1x128xi32, #tpu.memory_space<vmem>> -> memref<128xi32, #tpu.memory_space<vmem>>
    %dma_wait3A_36 = arith.constant 0 : i32
    %dma_wait3A_37 = arith.constant 0 : i32
    %dma_wait3A_38 = tpu.memref_slice %arg2[%dma_wait3A_36, %dma_wait3A_37] : memref<1024x256xf32, #tpu.memory_space<hbm>> -> memref<1024x256xf32, #tpu.memory_space<hbm>>
    tpu.wait_indirect_dma semaphore(%arg8 : memref<!tpu.dma_semaphore, #tpu.memory_space<semaphore_mem>>) src(%dma_wait3A_38 : memref<1024x256xf32, #tpu.memory_space<hbm>>) dst(%dma_wait3A_32 : memref<128x256xf32, #tpu.memory_space<vmem>>)
    %add3A_39 = arith.constant 0 : i32
    %add3A_40 = arith.addi %add3A_4, %add3A_39 : i32
    %run_scoped3A = arith.constant 0 : i32
    "tpu.region"() ({
      %run_scoped3A_56 = tpu.sem_alloc : memref<!tpu.dma_semaphore, #tpu.memory_space<semaphore_mem>>
      %dma_start3A_57 = arith.constant 0 : i32
      %dma_start3A_58 = arith.constant 0 : i32
      %dma_start3A_59 = tpu.memref_slice %arg7[%run_scoped3A, %dma_start3A_57, %dma_start3A_58] : memref<2x128x256xf32, #tpu.memory_space<vmem>> -> memref<1x128x256xf32, #tpu.memory_space<vmem>>
      %dma_start3A_60 = tpu.memref_squeeze %dma_start3A_59 : memref<1x128x256xf32, #tpu.memory_space<vmem>> -> memref<128x256xf32, #tpu.memory_space<vmem>>
      %dma_start3A_61 = arith.constant 0 : i32
      %dma_start3A_62 = tpu.memref_slice %arg4[%add3A_40, %dma_start3A_61] : memref<32768x256xf32, #tpu.memory_space<hbm>> -> memref<128x256xf32, #tpu.memory_space<hbm>>
      %dma_start3A_63 = arith.constant 0 : i32
      %dma_start3A_64 = tpu.memref_slice %arg4[%add3A_40, %dma_start3A_63] : memref<32768x256xf32, #tpu.memory_space<hbm>> -> memref<128x256xf32, #tpu.memory_space<hbm>>
      %dma_start3A_65 = arith.constant 0 : i32
      %dma_start3A_66 = arith.constant 0 : i32
      %dma_start3A_67 = tpu.memref_slice %arg7[%run_scoped3A, %dma_start3A_65, %dma_start3A_66] : memref<2x128x256xf32, #tpu.memory_space<vmem>> -> memref<1x128x256xf32, #tpu.memory_space<vmem>>
      %dma_start3A_68 = tpu.memref_squeeze %dma_start3A_67 : memref<1x128x256xf32, #tpu.memory_space<vmem>> -> memref<128x256xf32, #tpu.memory_space<vmem>>
      tpu.enqueue_dma source(%dma_start3A_68 : memref<128x256xf32, #tpu.memory_space<vmem>>) target(%dma_start3A_64 : memref<128x256xf32, #tpu.memory_space<hbm>>) target_semaphore(%run_scoped3A_56 : memref<!tpu.dma_semaphore, #tpu.memory_space<semaphore_mem>>)
      %dma_wait3A_69 = arith.constant 0 : i32
      %dma_wait3A_70 = arith.constant 0 : i32
      %dma_wait3A_71 = tpu.memref_slice %arg7[%run_scoped3A, %dma_wait3A_69, %dma_wait3A_70] : memref<2x128x256xf32, #tpu.memory_space<vmem>> -> memref<1x128x256xf32, #tpu.memory_space<vmem>>
      %dma_wait3A_72 = tpu.memref_squeeze %dma_wait3A_71 : memref<1x128x256xf32, #tpu.memory_space<vmem>> -> memref<128x256xf32, #tpu.memory_space<vmem>>
      %dma_wait3A_73 = arith.constant 0 : i32
      %dma_wait3A_74 = tpu.memref_slice %arg4[%add3A_40, %dma_wait3A_73] : memref<32768x256xf32, #tpu.memory_space<hbm>> -> memref<128x256xf32, #tpu.memory_space<hbm>>
      %dma_wait3A_75 = arith.constant 0 : i32
      %dma_wait3A_76 = tpu.memref_slice %arg4[%add3A_40, %dma_wait3A_75] : memref<32768x256xf32, #tpu.memory_space<hbm>> -> memref<128x256xf32, #tpu.memory_space<hbm>>
      %dma_wait3A_77 = arith.constant 0 : i32
      %dma_wait3A_78 = arith.constant 0 : i32
      %dma_wait3A_79 = tpu.memref_slice %arg7[%run_scoped3A, %dma_wait3A_77, %dma_wait3A_78] : memref<2x128x256xf32, #tpu.memory_space<vmem>> -> memref<1x128x256xf32, #tpu.memory_space<vmem>>
      %dma_wait3A_80 = tpu.memref_squeeze %dma_wait3A_79 : memref<1x128x256xf32, #tpu.memory_space<vmem>> -> memref<128x256xf32, #tpu.memory_space<vmem>>
      tpu.wait_dma2 semaphore(%run_scoped3A_56 : memref<!tpu.dma_semaphore, #tpu.memory_space<semaphore_mem>>) src(%dma_wait3A_80 : memref<128x256xf32, #tpu.memory_space<vmem>>) dst(%dma_wait3A_76 : memref<128x256xf32, #tpu.memory_space<hbm>>)
      tpu.yield
    }) : () -> ()
    %dma_wait3A_41 = arith.constant 1 : i32
    %dma_wait3A_42 = arith.constant 1 : i32
    %dma_wait3A_43 = arith.constant 0 : i32
    %dma_wait3A_44 = arith.constant 0 : i32
    %dma_wait3A_45 = tpu.memref_slice %arg7[%dma_wait3A_42, %dma_wait3A_43, %dma_wait3A_44] : memref<2x128x256xf32, #tpu.memory_space<vmem>> -> memref<1x128x256xf32, #tpu.memory_space<vmem>>
    %dma_wait3A_46 = tpu.memref_squeeze %dma_wait3A_45 : memref<1x128x256xf32, #tpu.memory_space<vmem>> -> memref<128x256xf32, #tpu.memory_space<vmem>>
    %dma_wait3A_47 = arith.constant 0 : i32
    %dma_wait3A_48 = tpu.memref_slice %arg6[%dma_wait3A_41, %dma_wait3A_47] : memref<2x128xi32, #tpu.memory_space<vmem>> -> memref<1x128xi32, #tpu.memory_space<vmem>>
    %dma_wait3A_49 = tpu.memref_squeeze %dma_wait3A_48 : memref<1x128xi32, #tpu.memory_space<vmem>> -> memref<128xi32, #tpu.memory_space<vmem>>
    %dma_wait3A_50 = arith.constant 0 : i32
    %dma_wait3A_51 = arith.constant 0 : i32
    %dma_wait3A_52 = tpu.memref_slice %arg2[%dma_wait3A_50, %dma_wait3A_51] : memref<1024x256xf32, #tpu.memory_space<hbm>> -> memref<1024x256xf32, #tpu.memory_space<hbm>>
    tpu.wait_indirect_dma semaphore(%arg8 : memref<!tpu.dma_semaphore, #tpu.memory_space<semaphore_mem>>) src(%dma_wait3A_52 : memref<1024x256xf32, #tpu.memory_space<hbm>>) dst(%dma_wait3A_46 : memref<128x256xf32, #tpu.memory_space<vmem>>)
    %add3A_53 = arith.constant 128 : i32
    %add3A_54 = arith.addi %add3A_4, %add3A_53 : i32
    %run_scoped3A_55 = arith.constant 1 : i32
    "tpu.region"() ({
      %run_scoped3A_56 = tpu.sem_alloc : memref<!tpu.dma_semaphore, #tpu.memory_space<semaphore_mem>>
      %dma_start3A_57 = arith.constant 0 : i32
      %dma_start3A_58 = arith.constant 0 : i32
      %dma_start3A_59 = tpu.memref_slice %arg7[%run_scoped3A_55, %dma_start3A_57, %dma_start3A_58] : memref<2x128x256xf32, #tpu.memory_space<vmem>> -> memref<1x128x256xf32, #tpu.memory_space<vmem>>
      %dma_start3A_60 = tpu.memref_squeeze %dma_start3A_59 : memref<1x128x256xf32, #tpu.memory_space<vmem>> -> memref<128x256xf32, #tpu.memory_space<vmem>>
      %dma_start3A_61 = arith.constant 0 : i32
      %dma_start3A_62 = tpu.memref_slice %arg4[%add3A_54, %dma_start3A_61] : memref<32768x256xf32, #tpu.memory_space<hbm>> -> memref<128x256xf32, #tpu.memory_space<hbm>>
      %dma_start3A_63 = arith.constant 0 : i32
      %dma_start3A_64 = tpu.memref_slice %arg4[%add3A_54, %dma_start3A_63] : memref<32768x256xf32, #tpu.memory_space<hbm>> -> memref<128x256xf32, #tpu.memory_space<hbm>>
      %dma_start3A_65 = arith.constant 0 : i32
      %dma_start3A_66 = arith.constant 0 : i32
      %dma_start3A_67 = tpu.memref_slice %arg7[%run_scoped3A_55, %dma_start3A_65, %dma_start3A_66] : memref<2x128x256xf32, #tpu.memory_space<vmem>> -> memref<1x128x256xf32, #tpu.memory_space<vmem>>
      %dma_start3A_68 = tpu.memref_squeeze %dma_start3A_67 : memref<1x128x256xf32, #tpu.memory_space<vmem>> -> memref<128x256xf32, #tpu.memory_space<vmem>>
      tpu.enqueue_dma source(%dma_start3A_68 : memref<128x256xf32, #tpu.memory_space<vmem>>) target(%dma_start3A_64 : memref<128x256xf32, #tpu.memory_space<hbm>>) target_semaphore(%run_scoped3A_56 : memref<!tpu.dma_semaphore, #tpu.memory_space<semaphore_mem>>)
      %dma_wait3A_69 = arith.constant 0 : i32
      %dma_wait3A_70 = arith.constant 0 : i32
      %dma_wait3A_71 = tpu.memref_slice %arg7[%run_scoped3A_55, %dma_wait3A_69, %dma_wait3A_70] : memref<2x128x256xf32, #tpu.memory_space<vmem>> -> memref<1x128x256xf32, #tpu.memory_space<vmem>>
      %dma_wait3A_72 = tpu.memref_squeeze %dma_wait3A_71 : memref<1x128x256xf32, #tpu.memory_space<vmem>> -> memref<128x256xf32, #tpu.memory_space<vmem>>
      %dma_wait3A_73 = arith.constant 0 : i32
      %dma_wait3A_74 = tpu.memref_slice %arg4[%add3A_54, %dma_wait3A_73] : memref<32768x256xf32, #tpu.memory_space<hbm>> -> memref<128x256xf32, #tpu.memory_space<hbm>>
      %dma_wait3A_75 = arith.constant 0 : i32
      %dma_wait3A_76 = tpu.memref_slice %arg4[%add3A_54, %dma_wait3A_75] : memref<32768x256xf32, #tpu.memory_space<hbm>> -> memref<128x256xf32, #tpu.memory_space<hbm>>
      %dma_wait3A_77 = arith.constant 0 : i32
      %dma_wait3A_78 = arith.constant 0 : i32
      %dma_wait3A_79 = tpu.memref_slice %arg7[%run_scoped3A_55, %dma_wait3A_77, %dma_wait3A_78] : memref<2x128x256xf32, #tpu.memory_space<vmem>> -> memref<1x128x256xf32, #tpu.memory_space<vmem>>
      %dma_wait3A_80 = tpu.memref_squeeze %dma_wait3A_79 : memref<1x128x256xf32, #tpu.memory_space<vmem>> -> memref<128x256xf32, #tpu.memory_space<vmem>>
      tpu.wait_dma2 semaphore(%run_scoped3A_56 : memref<!tpu.dma_semaphore, #tpu.memory_space<semaphore_mem>>) src(%dma_wait3A_80 : memref<128x256xf32, #tpu.memory_space<vmem>>) dst(%dma_wait3A_76 : memref<128x256xf32, #tpu.memory_space<hbm>>)
      tpu.yield
    }) : () -> ()
    return
  }
}

#map = affine_map<(d0, d1) -> (0, 0)>
#map1 = affine_map<(d0, d1) -> (0, 0, 0)>
module attributes {stable_mosaic.version = 14 : i64} {
  func.func @new_body(%arg0: i32, %arg1: i32, %arg2: memref<1024x256xf32, #tpu.memory_space<hbm>>, %arg3: memref<32x2x128xi32, #tpu.memory_space<hbm>>, %arg4: memref<32768x256xf32, #tpu.memory_space<hbm>>, %arg5: memref<32768x256xf32, #tpu.memory_space<hbm>>, %arg6: memref<2x128xi32, #tpu.memory_space<vmem>>, %arg7: memref<2x128x256xf32, #tpu.memory_space<vmem>>, %arg8: memref<!tpu.dma_semaphore, #tpu.memory_space<semaphore_mem>>) attributes {dimension_semantics = [#tpu.dimension_semantics<core_parallel>, #tpu.dimension_semantics<subcore_parallel>], iteration_bounds = array<i64: 2, 16>, scalar_prefetch = 0 : i64, scratch_operands = 3 : i64, tpu.core_type = #tpu.core_type<sc_vector_subcore>, window_params = [{transform_indices = #map}, {transform_indices = #map1}, {transform_indices = #map}, {transform_indices = #map}]} {
    %mul3A = arith.constant 2 : i32
    %mul3A_0 = arith.muli %arg1, %mul3A : i32
    %add3A = arith.addi %mul3A_0, %arg0 : i32
    %mul3A_1 = arith.constant 256 : i32
    %mul3A_2 = arith.muli %add3A, %mul3A_1 : i32
    %add3A_3 = arith.constant 24576 : i32
    %add3A_4 = arith.addi %add3A_3, %mul3A_2 : i32
    "tpu.region"() ({
      %run_scoped3A_56 = tpu.sem_alloc : memref<!tpu.dma_semaphore, #tpu.memory_space<semaphore_mem>>
      %dma_start3A_57 = arith.constant 0 : i32
      %dma_start3A_58 = arith.constant 0 : i32
      %dma_start3A_59 = tpu.memref_slice %arg3[%add3A, %dma_start3A_57, %dma_start3A_58] : memref<32x2x128xi32, #tpu.memory_space<hbm>> -> memref<1x2x128xi32, #tpu.memory_space<hbm>>
      %dma_start3A_60 = tpu.memref_squeeze %dma_start3A_59 : memref<1x2x128xi32, #tpu.memory_space<hbm>> -> memref<2x128xi32, #tpu.memory_space<hbm>>
      %dma_start3A_61 = arith.constant 0 : i32
      %dma_start3A_62 = arith.constant 0 : i32
      %dma_start3A_63 = tpu.memref_slice %arg3[%add3A, %dma_start3A_61, %dma_start3A_62] : memref<32x2x128xi32, #tpu.memory_space<hbm>> -> memref<1x2x128xi32, #tpu.memory_space<hbm>>
      %dma_start3A_64 = tpu.memref_squeeze %dma_start3A_63 : memref<1x2x128xi32, #tpu.memory_space<hbm>> -> memref<2x128xi32, #tpu.memory_space<hbm>>
      tpu.enqueue_dma source(%dma_start3A_64 : memref<2x128xi32, #tpu.memory_space<hbm>>) target(%arg6 : memref<2x128xi32, #tpu.memory_space<vmem>>) target_semaphore(%run_scoped3A_56 : memref<!tpu.dma_semaphore, #tpu.memory_space<semaphore_mem>>)
      %dma_wait3A_65 = arith.constant 0 : i32
      %dma_wait3A_66 = arith.constant 0 : i32
      %dma_wait3A_67 = tpu.memref_slice %arg3[%add3A, %dma_wait3A_65, %dma_wait3A_66] : memref<32x2x128xi32, #tpu.memory_space<hbm>> -> memref<1x2x128xi32, #tpu.memory_space<hbm>>
      %dma_wait3A_68 = tpu.memref_squeeze %dma_wait3A_67 : memref<1x2x128xi32, #tpu.memory_space<hbm>> -> memref<2x128xi32, #tpu.memory_space<hbm>>
      %dma_wait3A_69 = arith.constant 0 : i32
      %dma_wait3A_70 = arith.constant 0 : i32
      %dma_wait3A_71 = tpu.memref_slice %arg3[%add3A, %dma_wait3A_69, %dma_wait3A_70] : memref<32x2x128xi32, #tpu.memory_space<hbm>> -> memref<1x2x128xi32, #tpu.memory_space<hbm>>
      %dma_wait3A_72 = tpu.memref_squeeze %dma_wait3A_71 : memref<1x2x128xi32, #tpu.memory_space<hbm>> -> memref<2x128xi32, #tpu.memory_space<hbm>>
      tpu.wait_dma2 semaphore(%run_scoped3A_56 : memref<!tpu.dma_semaphore, #tpu.memory_space<semaphore_mem>>) src(%dma_wait3A_72 : memref<2x128xi32, #tpu.memory_space<hbm>>) dst(%arg6 : memref<2x128xi32, #tpu.memory_space<vmem>>)
      tpu.yield
    }) : () -> ()
    %dma_start3A = arith.constant 0 : i32
    %dma_start3A_5 = arith.constant 0 : i32
    %dma_start3A_6 = arith.constant 0 : i32
    %dma_start3A_7 = arith.constant 0 : i32
    %dma_start3A_8 = tpu.memref_slice %arg7[%dma_start3A_5, %dma_start3A_6, %dma_start3A_7] : memref<2x128x256xf32, #tpu.memory_space<vmem>> -> memref<1x128x256xf32, #tpu.memory_space<vmem>>
    %dma_start3A_9 = tpu.memref_squeeze %dma_start3A_8 : memref<1x128x256xf32, #tpu.memory_space<vmem>> -> memref<128x256xf32, #tpu.memory_space<vmem>>
    %dma_start3A_10 = arith.constant 0 : i32
    %dma_start3A_11 = tpu.memref_slice %arg6[%dma_start3A, %dma_start3A_10] : memref<2x128xi32, #tpu.memory_space<vmem>> -> memref<1x128xi32, #tpu.memory_space<vmem>>
    %dma_start3A_12 = tpu.memref_squeeze %dma_start3A_11 : memref<1x128xi32, #tpu.memory_space<vmem>> -> memref<128xi32, #tpu.memory_space<vmem>>
    %dma_start3A_13 = arith.constant 0 : i32
    %dma_start3A_14 = arith.constant 0 : i32
    %dma_start3A_15 = tpu.memref_slice %arg2[%dma_start3A_13, %dma_start3A_14] : memref<1024x256xf32, #tpu.memory_space<hbm>> -> memref<1024x256xf32, #tpu.memory_space<hbm>>
    tpu.enqueue_indirect_dma source(%dma_start3A_15 : memref<1024x256xf32, #tpu.memory_space<hbm>>) target(%dma_start3A_9 : memref<128x256xf32, #tpu.memory_space<vmem>>) offsets(%dma_start3A_12 : memref<128xi32, #tpu.memory_space<vmem>>) semaphore(%arg8 : memref<!tpu.dma_semaphore, #tpu.memory_space<semaphore_mem>>)
    %dma_start3A_16 = arith.constant 1 : i32
    %dma_start3A_17 = arith.constant 1 : i32
    %dma_start3A_18 = arith.constant 0 : i32
    %dma_start3A_19 = arith.constant 0 : i32
    %dma_start3A_20 = tpu.memref_slice %arg7[%dma_start3A_17, %dma_start3A_18, %dma_start3A_19] : memref<2x128x256xf32, #tpu.memory_space<vmem>> -> memref<1x128x256xf32, #tpu.memory_space<vmem>>
    %dma_start3A_21 = tpu.memref_squeeze %dma_start3A_20 : memref<1x128x256xf32, #tpu.memory_space<vmem>> -> memref<128x256xf32, #tpu.memory_space<vmem>>
    %dma_start3A_22 = arith.constant 0 : i32
    %dma_start3A_23 = tpu.memref_slice %arg6[%dma_start3A_16, %dma_start3A_22] : memref<2x128xi32, #tpu.memory_space<vmem>> -> memref<1x128xi32, #tpu.memory_space<vmem>>
    %dma_start3A_24 = tpu.memref_squeeze %dma_start3A_23 : memref<1x128xi32, #tpu.memory_space<vmem>> -> memref<128xi32, #tpu.memory_space<vmem>>
    %dma_start3A_25 = arith.constant 0 : i32
    %dma_start3A_26 = arith.constant 0 : i32
    %dma_start3A_27 = tpu.memref_slice %arg2[%dma_start3A_25, %dma_start3A_26] : memref<1024x256xf32, #tpu.memory_space<hbm>> -> memref<1024x256xf32, #tpu.memory_space<hbm>>
    tpu.enqueue_indirect_dma source(%dma_start3A_27 : memref<1024x256xf32, #tpu.memory_space<hbm>>) target(%dma_start3A_21 : memref<128x256xf32, #tpu.memory_space<vmem>>) offsets(%dma_start3A_24 : memref<128xi32, #tpu.memory_space<vmem>>) semaphore(%arg8 : memref<!tpu.dma_semaphore, #tpu.memory_space<semaphore_mem>>)
    %dma_wait3A = arith.constant 0 : i32
    %dma_wait3A_28 = arith.constant 0 : i32
    %dma_wait3A_29 = arith.constant 0 : i32
    %dma_wait3A_30 = arith.constant 0 : i32
    %dma_wait3A_31 = tpu.memref_slice %arg7[%dma_wait3A_28, %dma_wait3A_29, %dma_wait3A_30] : memref<2x128x256xf32, #tpu.memory_space<vmem>> -> memref<1x128x256xf32, #tpu.memory_space<vmem>>
    %dma_wait3A_32 = tpu.memref_squeeze %dma_wait3A_31 : memref<1x128x256xf32, #tpu.memory_space<vmem>> -> memref<128x256xf32, #tpu.memory_space<vmem>>
    %dma_wait3A_33 = arith.constant 0 : i32
    %dma_wait3A_34 = tpu.memref_slice %arg6[%dma_wait3A, %dma_wait3A_33] : memref<2x128xi32, #tpu.memory_space<vmem>> -> memref<1x128xi32, #tpu.memory_space<vmem>>
    %dma_wait3A_35 = tpu.memref_squeeze %dma_wait3A_34 : memref<1x128xi32, #tpu.memory_space<vmem>> -> memref<128xi32, #tpu.memory_space<vmem>>
    %dma_wait3A_36 = arith.constant 0 : i32
    %dma_wait3A_37 = arith.constant 0 : i32
    %dma_wait3A_38 = tpu.memref_slice %arg2[%dma_wait3A_36, %dma_wait3A_37] : memref<1024x256xf32, #tpu.memory_space<hbm>> -> memref<1024x256xf32, #tpu.memory_space<hbm>>
    tpu.wait_indirect_dma semaphore(%arg8 : memref<!tpu.dma_semaphore, #tpu.memory_space<semaphore_mem>>) src(%dma_wait3A_38 : memref<1024x256xf32, #tpu.memory_space<hbm>>) dst(%dma_wait3A_32 : memref<128x256xf32, #tpu.memory_space<vmem>>)
    %add3A_39 = arith.constant 0 : i32
    %add3A_40 = arith.addi %add3A_4, %add3A_39 : i32
    %run_scoped3A = arith.constant 0 : i32
    "tpu.region"() ({
      %run_scoped3A_56 = tpu.sem_alloc : memref<!tpu.dma_semaphore, #tpu.memory_space<semaphore_mem>>
      %dma_start3A_57 = arith.constant 0 : i32
      %dma_start3A_58 = arith.constant 0 : i32
      %dma_start3A_59 = tpu.memref_slice %arg7[%run_scoped3A, %dma_start3A_57, %dma_start3A_58] : memref<2x128x256xf32, #tpu.memory_space<vmem>> -> memref<1x128x256xf32, #tpu.memory_space<vmem>>
      %dma_start3A_60 = tpu.memref_squeeze %dma_start3A_59 : memref<1x128x256xf32, #tpu.memory_space<vmem>> -> memref<128x256xf32, #tpu.memory_space<vmem>>
      %dma_start3A_61 = arith.constant 0 : i32
      %dma_start3A_62 = tpu.memref_slice %arg4[%add3A_40, %dma_start3A_61] : memref<32768x256xf32, #tpu.memory_space<hbm>> -> memref<128x256xf32, #tpu.memory_space<hbm>>
      %dma_start3A_63 = arith.constant 0 : i32
      %dma_start3A_64 = tpu.memref_slice %arg4[%add3A_40, %dma_start3A_63] : memref<32768x256xf32, #tpu.memory_space<hbm>> -> memref<128x256xf32, #tpu.memory_space<hbm>>
      %dma_start3A_65 = arith.constant 0 : i32
      %dma_start3A_66 = arith.constant 0 : i32
      %dma_start3A_67 = tpu.memref_slice %arg7[%run_scoped3A, %dma_start3A_65, %dma_start3A_66] : memref<2x128x256xf32, #tpu.memory_space<vmem>> -> memref<1x128x256xf32, #tpu.memory_space<vmem>>
      %dma_start3A_68 = tpu.memref_squeeze %dma_start3A_67 : memref<1x128x256xf32, #tpu.memory_space<vmem>> -> memref<128x256xf32, #tpu.memory_space<vmem>>
      tpu.enqueue_dma source(%dma_start3A_68 : memref<128x256xf32, #tpu.memory_space<vmem>>) target(%dma_start3A_64 : memref<128x256xf32, #tpu.memory_space<hbm>>) target_semaphore(%run_scoped3A_56 : memref<!tpu.dma_semaphore, #tpu.memory_space<semaphore_mem>>)
      %dma_wait3A_69 = arith.constant 0 : i32
      %dma_wait3A_70 = arith.constant 0 : i32
      %dma_wait3A_71 = tpu.memref_slice %arg7[%run_scoped3A, %dma_wait3A_69, %dma_wait3A_70] : memref<2x128x256xf32, #tpu.memory_space<vmem>> -> memref<1x128x256xf32, #tpu.memory_space<vmem>>
      %dma_wait3A_72 = tpu.memref_squeeze %dma_wait3A_71 : memref<1x128x256xf32, #tpu.memory_space<vmem>> -> memref<128x256xf32, #tpu.memory_space<vmem>>
      %dma_wait3A_73 = arith.constant 0 : i32
      %dma_wait3A_74 = tpu.memref_slice %arg4[%add3A_40, %dma_wait3A_73] : memref<32768x256xf32, #tpu.memory_space<hbm>> -> memref<128x256xf32, #tpu.memory_space<hbm>>
      %dma_wait3A_75 = arith.constant 0 : i32
      %dma_wait3A_76 = tpu.memref_slice %arg4[%add3A_40, %dma_wait3A_75] : memref<32768x256xf32, #tpu.memory_space<hbm>> -> memref<128x256xf32, #tpu.memory_space<hbm>>
      %dma_wait3A_77 = arith.constant 0 : i32
      %dma_wait3A_78 = arith.constant 0 : i32
      %dma_wait3A_79 = tpu.memref_slice %arg7[%run_scoped3A, %dma_wait3A_77, %dma_wait3A_78] : memref<2x128x256xf32, #tpu.memory_space<vmem>> -> memref<1x128x256xf32, #tpu.memory_space<vmem>>
      %dma_wait3A_80 = tpu.memref_squeeze %dma_wait3A_79 : memref<1x128x256xf32, #tpu.memory_space<vmem>> -> memref<128x256xf32, #tpu.memory_space<vmem>>
      tpu.wait_dma2 semaphore(%run_scoped3A_56 : memref<!tpu.dma_semaphore, #tpu.memory_space<semaphore_mem>>) src(%dma_wait3A_80 : memref<128x256xf32, #tpu.memory_space<vmem>>) dst(%dma_wait3A_76 : memref<128x256xf32, #tpu.memory_space<hbm>>)
      tpu.yield
    }) : () -> ()
    %dma_wait3A_41 = arith.constant 1 : i32
    %dma_wait3A_42 = arith.constant 1 : i32
    %dma_wait3A_43 = arith.constant 0 : i32
    %dma_wait3A_44 = arith.constant 0 : i32
    %dma_wait3A_45 = tpu.memref_slice %arg7[%dma_wait3A_42, %dma_wait3A_43, %dma_wait3A_44] : memref<2x128x256xf32, #tpu.memory_space<vmem>> -> memref<1x128x256xf32, #tpu.memory_space<vmem>>
    %dma_wait3A_46 = tpu.memref_squeeze %dma_wait3A_45 : memref<1x128x256xf32, #tpu.memory_space<vmem>> -> memref<128x256xf32, #tpu.memory_space<vmem>>
    %dma_wait3A_47 = arith.constant 0 : i32
    %dma_wait3A_48 = tpu.memref_slice %arg6[%dma_wait3A_41, %dma_wait3A_47] : memref<2x128xi32, #tpu.memory_space<vmem>> -> memref<1x128xi32, #tpu.memory_space<vmem>>
    %dma_wait3A_49 = tpu.memref_squeeze %dma_wait3A_48 : memref<1x128xi32, #tpu.memory_space<vmem>> -> memref<128xi32, #tpu.memory_space<vmem>>
    %dma_wait3A_50 = arith.constant 0 : i32
    %dma_wait3A_51 = arith.constant 0 : i32
    %dma_wait3A_52 = tpu.memref_slice %arg2[%dma_wait3A_50, %dma_wait3A_51] : memref<1024x256xf32, #tpu.memory_space<hbm>> -> memref<1024x256xf32, #tpu.memory_space<hbm>>
    tpu.wait_indirect_dma semaphore(%arg8 : memref<!tpu.dma_semaphore, #tpu.memory_space<semaphore_mem>>) src(%dma_wait3A_52 : memref<1024x256xf32, #tpu.memory_space<hbm>>) dst(%dma_wait3A_46 : memref<128x256xf32, #tpu.memory_space<vmem>>)
    %add3A_53 = arith.constant 128 : i32
    %add3A_54 = arith.addi %add3A_4, %add3A_53 : i32
    %run_scoped3A_55 = arith.constant 1 : i32
    "tpu.region"() ({
      %run_scoped3A_56 = tpu.sem_alloc : memref<!tpu.dma_semaphore, #tpu.memory_space<semaphore_mem>>
      %dma_start3A_57 = arith.constant 0 : i32
      %dma_start3A_58 = arith.constant 0 : i32
      %dma_start3A_59 = tpu.memref_slice %arg7[%run_scoped3A_55, %dma_start3A_57, %dma_start3A_58] : memref<2x128x256xf32, #tpu.memory_space<vmem>> -> memref<1x128x256xf32, #tpu.memory_space<vmem>>
      %dma_start3A_60 = tpu.memref_squeeze %dma_start3A_59 : memref<1x128x256xf32, #tpu.memory_space<vmem>> -> memref<128x256xf32, #tpu.memory_space<vmem>>
      %dma_start3A_61 = arith.constant 0 : i32
      %dma_start3A_62 = tpu.memref_slice %arg4[%add3A_54, %dma_start3A_61] : memref<32768x256xf32, #tpu.memory_space<hbm>> -> memref<128x256xf32, #tpu.memory_space<hbm>>
      %dma_start3A_63 = arith.constant 0 : i32
      %dma_start3A_64 = tpu.memref_slice %arg4[%add3A_54, %dma_start3A_63] : memref<32768x256xf32, #tpu.memory_space<hbm>> -> memref<128x256xf32, #tpu.memory_space<hbm>>
      %dma_start3A_65 = arith.constant 0 : i32
      %dma_start3A_66 = arith.constant 0 : i32
      %dma_start3A_67 = tpu.memref_slice %arg7[%run_scoped3A_55, %dma_start3A_65, %dma_start3A_66] : memref<2x128x256xf32, #tpu.memory_space<vmem>> -> memref<1x128x256xf32, #tpu.memory_space<vmem>>
      %dma_start3A_68 = tpu.memref_squeeze %dma_start3A_67 : memref<1x128x256xf32, #tpu.memory_space<vmem>> -> memref<128x256xf32, #tpu.memory_space<vmem>>
      tpu.enqueue_dma source(%dma_start3A_68 : memref<128x256xf32, #tpu.memory_space<vmem>>) target(%dma_start3A_64 : memref<128x256xf32, #tpu.memory_space<hbm>>) target_semaphore(%run_scoped3A_56 : memref<!tpu.dma_semaphore, #tpu.memory_space<semaphore_mem>>)
      %dma_wait3A_69 = arith.constant 0 : i32
      %dma_wait3A_70 = arith.constant 0 : i32
      %dma_wait3A_71 = tpu.memref_slice %arg7[%run_scoped3A_55, %dma_wait3A_69, %dma_wait3A_70] : memref<2x128x256xf32, #tpu.memory_space<vmem>> -> memref<1x128x256xf32, #tpu.memory_space<vmem>>
      %dma_wait3A_72 = tpu.memref_squeeze %dma_wait3A_71 : memref<1x128x256xf32, #tpu.memory_space<vmem>> -> memref<128x256xf32, #tpu.memory_space<vmem>>
      %dma_wait3A_73 = arith.constant 0 : i32
      %dma_wait3A_74 = tpu.memref_slice %arg4[%add3A_54, %dma_wait3A_73] : memref<32768x256xf32, #tpu.memory_space<hbm>> -> memref<128x256xf32, #tpu.memory_space<hbm>>
      %dma_wait3A_75 = arith.constant 0 : i32
      %dma_wait3A_76 = tpu.memref_slice %arg4[%add3A_54, %dma_wait3A_75] : memref<32768x256xf32, #tpu.memory_space<hbm>> -> memref<128x256xf32, #tpu.memory_space<hbm>>
      %dma_wait3A_77 = arith.constant 0 : i32
      %dma_wait3A_78 = arith.constant 0 : i32
      %dma_wait3A_79 = tpu.memref_slice %arg7[%run_scoped3A_55, %dma_wait3A_77, %dma_wait3A_78] : memref<2x128x256xf32, #tpu.memory_space<vmem>> -> memref<1x128x256xf32, #tpu.memory_space<vmem>>
      %dma_wait3A_80 = tpu.memref_squeeze %dma_wait3A_79 : memref<1x128x256xf32, #tpu.memory_space<vmem>> -> memref<128x256xf32, #tpu.memory_space<vmem>>
      tpu.wait_dma2 semaphore(%run_scoped3A_56 : memref<!tpu.dma_semaphore, #tpu.memory_space<semaphore_mem>>) src(%dma_wait3A_80 : memref<128x256xf32, #tpu.memory_space<vmem>>) dst(%dma_wait3A_76 : memref<128x256xf32, #tpu.memory_space<hbm>>)
      tpu.yield
    }) : () -> ()
    return
  }
}

module attributes {stable_mosaic.version = 14 : i64} {
  func.func @body(%arg0: i32, %arg1: memref<1x1024x1024xf32, #tpu.memory_space<vmem>>, %arg2: memref<1x1x1024xi32, #tpu.memory_space<vmem>>) attributes {dimension_semantics = [#tpu.dimension_semantics<arbitrary>], iteration_bounds = array<i64: 8>, scalar_prefetch = 0 : i64, scratch_operands = 0 : i64, tpu.core_type = #tpu.core_type<tc>, window_params = [{transform_indices = @transform_0, window_bounds = array<i64: 1, 1024, 1024>}, {transform_indices = @transform_1, window_bounds = array<i64: 1, 1, 1024>}]} {
    %get3A = arith.constant 0 : index
    %get3A_0 = arith.constant 0 : index
    %get3A_1 = arith.constant 0 : index
    %get3A_2 = vector.load %arg1[%get3A, %get3A_0, %get3A_1] : memref<1x1024x1024xf32, #tpu.memory_space<vmem>>, vector<1x1024x1024xf32>
    %get3A_3 = vector.shape_cast %get3A_2 : vector<1x1024x1024xf32> to vector<1024x1024xf32>
    %reduce_max3A = arith.constant dense<0xFF800000> : vector<1024xf32>
    %reduce_max3A_4 = vector.multi_reduction <maximumf>, %get3A_3, %reduce_max3A [1] : vector<1024x1024xf32> to vector<1024xf32>
    %broadcast_in_dim3A = vector.shape_cast %reduce_max3A_4 : vector<1024xf32> to vector<1024x1xf32>
    %iota3A = tpu.iota {dimensions = array<i32: 1>} : vector<1024x1024xi32>
    %eq3A = vector.broadcast %broadcast_in_dim3A : vector<1024x1xf32> to vector<1024x1024xf32>
    %eq3A_5 = arith.cmpf oeq, %get3A_3, %eq3A : vector<1024x1024xf32>
    %jit3A = arith.constant 1024 : i32
    %broadcast_in_dim3A_6 = vector.broadcast %jit3A : i32 to vector<1024x1024xi32>
    %select_n3A = arith.select %eq3A_5, %iota3A, %broadcast_in_dim3A_6 : vector<1024x1024xi1>, vector<1024x1024xi32>
    %reduce_min3A = arith.constant dense<2147483647> : vector<1024xi32>
    %reduce_min3A_7 = vector.multi_reduction <minsi>, %select_n3A, %reduce_min3A [1] : vector<1024x1024xi32> to vector<1024xi32>
    %swap3A = arith.constant 0 : index
    %swap3A_8 = arith.constant 0 : index
    %swap3A_9 = arith.constant 0 : index
    %swap3A_10 = vector.load %arg2[%swap3A, %swap3A_8, %swap3A_9] : memref<1x1x1024xi32, #tpu.memory_space<vmem>>, vector<1x1x1024xi32>
    %swap3A_11 = vector.shape_cast %swap3A_10 : vector<1x1x1024xi32> to vector<1024xi32>
    %swap3A_12 = vector.shape_cast %reduce_min3A_7 : vector<1024xi32> to vector<1x1x1024xi32>
    tpu.vector_store %arg2[%swap3A, %swap3A_8, %swap3A_9], %swap3A_12 {strides = array<i32>} : memref<1x1x1024xi32, #tpu.memory_space<vmem>>, vector<1x1x1024xi32>,
    return
  }
  func.func @transform_0(%arg0: i32) -> (i32, i32, i32) {
    %add3A = arith.constant 24 : i32
    %add3A_0 = arith.addi %add3A, %arg0 : i32
    %c0_i32 = arith.constant 0 : i32
    %c0_i32_1 = arith.constant 0 : i32
    %c0_i32_2 = arith.constant 0 : i32
    return %add3A_0, %c0_i32, %c0_i32_1 : i32, i32, i32
  }
  func.func @transform_1(%arg0: i32) -> (i32, i32, i32) {
    %c0_i32 = arith.constant 0 : i32
    %c0_i32_0 = arith.constant 0 : i32
    %c0_i32_1 = arith.constant 0 : i32
    return %arg0, %c0_i32, %c0_i32_0 : i32, i32, i32
  }
}

module attributes {stable_mosaic.version = 14 : i64} {
  func.func @body(%arg0: i32, %arg1: memref<1x1024x1024xf32, #tpu.memory_space<vmem>>, %arg2: memref<1x1x1024xi32, #tpu.memory_space<vmem>>) attributes {dimension_semantics = [#tpu.dimension_semantics<arbitrary>], iteration_bounds = array<i64: 8>, scalar_prefetch = 0 : i64, scratch_operands = 0 : i64, tpu.core_type = #tpu.core_type<tc>, window_params = [{transform_indices = @transform_0, window_bounds = array<i64: 1, 1024, 1024>}, {transform_indices = @transform_1, window_bounds = array<i64: 1, 1, 1024>}]} {
    %get3A = arith.constant 0 : index
    %get3A_0 = arith.constant 0 : index
    %get3A_1 = arith.constant 0 : index
    %get3A_2 = vector.load %arg1[%get3A, %get3A_0, %get3A_1] : memref<1x1024x1024xf32, #tpu.memory_space<vmem>>, vector<1x1024x1024xf32>
    %get3A_3 = vector.shape_cast %get3A_2 : vector<1x1024x1024xf32> to vector<1024x1024xf32>
    %reduce_max3A = arith.constant dense<0xFF800000> : vector<1024xf32>
    %reduce_max3A_4 = vector.multi_reduction <maximumf>, %get3A_3, %reduce_max3A [1] : vector<1024x1024xf32> to vector<1024xf32>
    %broadcast_in_dim3A = vector.shape_cast %reduce_max3A_4 : vector<1024xf32> to vector<1024x1xf32>
    %iota3A = tpu.iota {dimensions = array<i32: 1>} : vector<1024x1024xi32>
    %eq3A = vector.broadcast %broadcast_in_dim3A : vector<1024x1xf32> to vector<1024x1024xf32>
    %eq3A_5 = arith.cmpf oeq, %get3A_3, %eq3A : vector<1024x1024xf32>
    %jit3A = arith.constant 1024 : i32
    %broadcast_in_dim3A_6 = vector.broadcast %jit3A : i32 to vector<1024x1024xi32>
    %select_n3A = arith.select %eq3A_5, %iota3A, %broadcast_in_dim3A_6 : vector<1024x1024xi1>, vector<1024x1024xi32>
    %reduce_min3A = arith.constant dense<2147483647> : vector<1024xi32>
    %reduce_min3A_7 = vector.multi_reduction <minsi>, %select_n3A, %reduce_min3A [1] : vector<1024x1024xi32> to vector<1024xi32>
    %swap3A = arith.constant 0 : index
    %swap3A_8 = arith.constant 0 : index
    %swap3A_9 = arith.constant 0 : index
    %swap3A_10 = vector.load %arg2[%swap3A, %swap3A_8, %swap3A_9] : memref<1x1x1024xi32, #tpu.memory_space<vmem>>, vector<1x1x1024xi32>
    %swap3A_11 = vector.shape_cast %swap3A_10 : vector<1x1x1024xi32> to vector<1024xi32>
    %swap3A_12 = vector.shape_cast %reduce_min3A_7 : vector<1024xi32> to vector<1x1x1024xi32>
    tpu.vector_store %arg2[%swap3A, %swap3A_8, %swap3A_9], %swap3A_12 {strides = array<i32>} : memref<1x1x1024xi32, #tpu.memory_space<vmem>>, vector<1x1x1024xi32>,
    return
  }
  func.func @transform_0(%arg0: i32) -> (i32, i32, i32) {
    %add3A = arith.constant 8 : i32
    %add3A_0 = arith.addi %add3A, %arg0 : i32
    %c0_i32 = arith.constant 0 : i32
    %c0_i32_1 = arith.constant 0 : i32
    %c0_i32_2 = arith.constant 0 : i32
    return %add3A_0, %c0_i32, %c0_i32_1 : i32, i32, i32
  }
  func.func @transform_1(%arg0: i32) -> (i32, i32, i32) {
    %c0_i32 = arith.constant 0 : i32
    %c0_i32_0 = arith.constant 0 : i32
    %c0_i32_1 = arith.constant 0 : i32
    return %arg0, %c0_i32, %c0_i32_0 : i32, i32, i32
  }
}

module attributes {stable_mosaic.version = 14 : i64} {
  func.func @body(%arg0: i32, %arg1: memref<1x1024x1024xf32, #tpu.memory_space<vmem>>, %arg2: memref<1x1x1024xi32, #tpu.memory_space<vmem>>) attributes {dimension_semantics = [#tpu.dimension_semantics<arbitrary>], iteration_bounds = array<i64: 8>, scalar_prefetch = 0 : i64, scratch_operands = 0 : i64, tpu.core_type = #tpu.core_type<tc>, window_params = [{transform_indices = @transform_0, window_bounds = array<i64: 1, 1024, 1024>}, {transform_indices = @transform_1, window_bounds = array<i64: 1, 1, 1024>}]} {
    %get3A = arith.constant 0 : index
    %get3A_0 = arith.constant 0 : index
    %get3A_1 = arith.constant 0 : index
    %get3A_2 = vector.load %arg1[%get3A, %get3A_0, %get3A_1] : memref<1x1024x1024xf32, #tpu.memory_space<vmem>>, vector<1x1024x1024xf32>
    %get3A_3 = vector.shape_cast %get3A_2 : vector<1x1024x1024xf32> to vector<1024x1024xf32>
    %reduce_max3A = arith.constant dense<0xFF800000> : vector<1024xf32>
    %reduce_max3A_4 = vector.multi_reduction <maximumf>, %get3A_3, %reduce_max3A [1] : vector<1024x1024xf32> to vector<1024xf32>
    %broadcast_in_dim3A = vector.shape_cast %reduce_max3A_4 : vector<1024xf32> to vector<1024x1xf32>
    %iota3A = tpu.iota {dimensions = array<i32: 1>} : vector<1024x1024xi32>
    %eq3A = vector.broadcast %broadcast_in_dim3A : vector<1024x1xf32> to vector<1024x1024xf32>
    %eq3A_5 = arith.cmpf oeq, %get3A_3, %eq3A : vector<1024x1024xf32>
    %jit3A = arith.constant 1024 : i32
    %broadcast_in_dim3A_6 = vector.broadcast %jit3A : i32 to vector<1024x1024xi32>
    %select_n3A = arith.select %eq3A_5, %iota3A, %broadcast_in_dim3A_6 : vector<1024x1024xi1>, vector<1024x1024xi32>
    %reduce_min3A = arith.constant dense<2147483647> : vector<1024xi32>
    %reduce_min3A_7 = vector.multi_reduction <minsi>, %select_n3A, %reduce_min3A [1] : vector<1024x1024xi32> to vector<1024xi32>
    %swap3A = arith.constant 0 : index
    %swap3A_8 = arith.constant 0 : index
    %swap3A_9 = arith.constant 0 : index
    %swap3A_10 = vector.load %arg2[%swap3A, %swap3A_8, %swap3A_9] : memref<1x1x1024xi32, #tpu.memory_space<vmem>>, vector<1x1x1024xi32>
    %swap3A_11 = vector.shape_cast %swap3A_10 : vector<1x1x1024xi32> to vector<1024xi32>
    %swap3A_12 = vector.shape_cast %reduce_min3A_7 : vector<1024xi32> to vector<1x1x1024xi32>
    tpu.vector_store %arg2[%swap3A, %swap3A_8, %swap3A_9], %swap3A_12 {strides = array<i32>} : memref<1x1x1024xi32, #tpu.memory_space<vmem>>, vector<1x1x1024xi32>,
    return
  }
  func.func @transform_0(%arg0: i32) -> (i32, i32, i32) {
    %add3A = arith.constant 0 : i32
    %add3A_0 = arith.addi %add3A, %arg0 : i32
    %c0_i32 = arith.constant 0 : i32
    %c0_i32_1 = arith.constant 0 : i32
    %c0_i32_2 = arith.constant 0 : i32
    return %add3A_0, %c0_i32, %c0_i32_1 : i32, i32, i32
  }
  func.func @transform_1(%arg0: i32) -> (i32, i32, i32) {
    %c0_i32 = arith.constant 0 : i32
    %c0_i32_0 = arith.constant 0 : i32
    %c0_i32_1 = arith.constant 0 : i32
    return %arg0, %c0_i32, %c0_i32_0 : i32, i32, i32
  }
}

module attributes {stable_mosaic.version = 14 : i64} {
  func.func @body(%arg0: i32, %arg1: memref<1x1024x1024xf32, #tpu.memory_space<vmem>>, %arg2: memref<1x1x1024xi32, #tpu.memory_space<vmem>>) attributes {dimension_semantics = [#tpu.dimension_semantics<arbitrary>], iteration_bounds = array<i64: 8>, scalar_prefetch = 0 : i64, scratch_operands = 0 : i64, tpu.core_type = #tpu.core_type<tc>, window_params = [{transform_indices = @transform_0, window_bounds = array<i64: 1, 1024, 1024>}, {transform_indices = @transform_1, window_bounds = array<i64: 1, 1, 1024>}]} {
    %get3A = arith.constant 0 : index
    %get3A_0 = arith.constant 0 : index
    %get3A_1 = arith.constant 0 : index
    %get3A_2 = vector.load %arg1[%get3A, %get3A_0, %get3A_1] : memref<1x1024x1024xf32, #tpu.memory_space<vmem>>, vector<1x1024x1024xf32>
    %get3A_3 = vector.shape_cast %get3A_2 : vector<1x1024x1024xf32> to vector<1024x1024xf32>
    %reduce_max3A = arith.constant dense<0xFF800000> : vector<1024xf32>
    %reduce_max3A_4 = vector.multi_reduction <maximumf>, %get3A_3, %reduce_max3A [1] : vector<1024x1024xf32> to vector<1024xf32>
    %broadcast_in_dim3A = vector.shape_cast %reduce_max3A_4 : vector<1024xf32> to vector<1024x1xf32>
    %iota3A = tpu.iota {dimensions = array<i32: 1>} : vector<1024x1024xi32>
    %eq3A = vector.broadcast %broadcast_in_dim3A : vector<1024x1xf32> to vector<1024x1024xf32>
    %eq3A_5 = arith.cmpf oeq, %get3A_3, %eq3A : vector<1024x1024xf32>
    %jit3A = arith.constant 1024 : i32
    %broadcast_in_dim3A_6 = vector.broadcast %jit3A : i32 to vector<1024x1024xi32>
    %select_n3A = arith.select %eq3A_5, %iota3A, %broadcast_in_dim3A_6 : vector<1024x1024xi1>, vector<1024x1024xi32>
    %reduce_min3A = arith.constant dense<2147483647> : vector<1024xi32>
    %reduce_min3A_7 = vector.multi_reduction <minsi>, %select_n3A, %reduce_min3A [1] : vector<1024x1024xi32> to vector<1024xi32>
    %swap3A = arith.constant 0 : index
    %swap3A_8 = arith.constant 0 : index
    %swap3A_9 = arith.constant 0 : index
    %swap3A_10 = vector.load %arg2[%swap3A, %swap3A_8, %swap3A_9] : memref<1x1x1024xi32, #tpu.memory_space<vmem>>, vector<1x1x1024xi32>
    %swap3A_11 = vector.shape_cast %swap3A_10 : vector<1x1x1024xi32> to vector<1024xi32>
    %swap3A_12 = vector.shape_cast %reduce_min3A_7 : vector<1024xi32> to vector<1x1x1024xi32>
    tpu.vector_store %arg2[%swap3A, %swap3A_8, %swap3A_9], %swap3A_12 {strides = array<i32>} : memref<1x1x1024xi32, #tpu.memory_space<vmem>>, vector<1x1x1024xi32>,
    return
  }
  func.func @transform_0(%arg0: i32) -> (i32, i32, i32) {
    %add3A = arith.constant 16 : i32
    %add3A_0 = arith.addi %add3A, %arg0 : i32
    %c0_i32 = arith.constant 0 : i32
    %c0_i32_1 = arith.constant 0 : i32
    %c0_i32_2 = arith.constant 0 : i32
    return %add3A_0, %c0_i32, %c0_i32_1 : i32, i32, i32
  }
  func.func @transform_1(%arg0: i32) -> (i32, i32, i32) {
    %c0_i32 = arith.constant 0 : i32
    %c0_i32_0 = arith.constant 0 : i32
    %c0_i32_1 = arith.constant 0 : i32
    return %arg0, %c0_i32, %c0_i32_0 : i32, i32, i32
  }
}

</mosaic_0001>

<sc_bundles>
// kernel: kernel.10.cloned.1.call-start
scs
__scs_entry_jumppad:
0x0: {  	(pc) =	sbr.rel $0x88, $3  }
0x1: {  	(tag) =	ssettag $0x0;
	lr =	simm.s32 $0x1  }
0x2: {  	[smem:$0x3F9F] =	sst lr;
	_ =	strace $0xD0000000  }
0x3: {  	_ = 	snop  }
0x4: {  	_ = 	snop  }
0x5: {  	_ = 	snop  }
0x6: {  	_ = 	snop  }
0x7: {  	_ = 	snop  }
__scs_overlays_trampoline_lowered:
0x8: {  	[smem:$0x3FAE] =	sst s0  }
0x9: {  	[smem:$0x3FAF] =	sst s1  }
0xa: {  	[smem:$0x3FB0] =	sst s2  }
0xb: {  	[smem:$0x3FB1] =	sst s3  }
0xc: {  	[smem:$0x3FB2] =	sst s4  }
0xd: {  	[smem:$0x3FB3] =	sst s5  }
0xe: {  	[smem:$0x3FB4] =	sst s6  }
0xf: {  	[smem:$0x3FB5] =	sst s7  }
0x10: {  	[smem:$0x3FB6] =	sst s8  }
0x11: {  	[smem:$0x3FB7] =	sst s9;
	s0 =	simm.s32 @!p0 $0x0  }
0x12: {  	s1 =	sld [smem:$0x3F9D];
	s0 =	simm.s32 @p0 $0x1  }
0x13: {  	[smem:$0x3FB8] =	sst s0;
	s0 =	simm.s32 @!p1 $0x0  }
0x14: {  	s2 =	sld [smem:$0x3F9C];
	s0 =	simm.s32 @p1 $0x1  }
0x15: {  	[smem:$0x3FB9] =	sst s0;
	s0 =	simm.s32 @!p2 $0x0  }
0x16: {  	s3 =	sld [smem:$0x3FDB];
	s0 =	simm.s32 @p2 $0x1  }
0x17: {  	s4 =	simm.s32 $0x1BF5;
	[smem:$0x3FBB] =	sst s0  }
0x18: {  	s0 =	sld [smem:$0x3F9E];
	_ =	swait.ge [sflag:s4], $0x0  }
0x19: {  	s7 =	sld [smem:$0x3F9F]  }
0x1a: {  	s8 =	sadd.s32 $0xFFFFE003, lr  }
0x1b: {  	s9 =	sadd.s32 $0xFFFFFEF7, lr;
	s5 =	simm.s32 $0xFFFFFFFF;
	p2 =	slt.u32 s8, $0xFFFFF086  }
0x1c: {  	p1 =	slt.u32 s9, $0xF7A;
	s5 =	simm.s32 @!p2 $0x0  }
0x1d: {  	s5 =	simm.s32 @p1 $0x1;
	p0 =	seq.s32 s7, s2  }
0x1e: {  	s7 =	smul.u32 @!p0 $0xF7A, s2;
	p2 =	seq.s32 @!p0 s5, $0x0  }
0x1f: {  	s9 =	smul.u32 $0xF7A, s1;
	s8 =	simm.s32 @!p0 $0x1BF5;
	p2 =	por !p2, p0  }
0x20: {  	[sflag:s8] =	ssyncset.s32 @!p0 $0xFFFFF086;
	s6 =	sadd.s32 @!p0 s3, s7;
	s7 =	simm.s32 @!p0 $0x108  }
0x21: {  	s3 =	sadd.s32 s3, s9;
	s6 =	sadd.s32 @!p0 $0x88, s6;
	s7 =	simm.s32 @p2 $0x1082  }
0x22: {  	[simem:s7], [sflag:s8] =	dma.local @!p0 [hbm:s6], $0xF7A  }
0x23: {  	s9 =	sor.u32 $0xD0000000, s2;
	s6 =	simm.s32 $0x108;
	_ =	swait.ge @!p0 [sflag:s8], $0x0  }
0x24: {  	s3 =	sadd.s32 $0x88, s3;
	s6 =	simm.s32 @!p1 $0x1082;
	[sflag:s4] =	ssyncset.s32 $0xFFFFF086  }
0x25: {  	[simem:s6], [sflag:s4] =	dma.local [hbm:s3], $0xF7A  }
0x26: {  	[smem:$0x3F9F] =	sst s1;
	(tag) =	ssettag s2;
	_ =	strace s9  }
0x27: {  	s1 =	sld [smem:$0x3FAF]  }
0x28: {  	s2 =	sld [smem:$0x3FB0]  }
0x29: {  	s4 =	sld [smem:$0x3FB2]  }
0x2a: {  	p0 =	seq.s32 s5, $0x0;
	s5 =	sld [smem:$0x3FB3]  }
0x2b: {  	s6 =	sld [smem:$0x3FB4]  }
0x2c: {  	s7 =	sld [smem:$0x3FB5]  }
0x2d: {  	s3 =	simm.s32 $0x108;
	s8 =	sld [smem:$0x3FB6]  }
0x2e: {  	s3 =	simm.s32 @!p0 $0x1082;
	s9 =	sld [smem:$0x3FB7]  }
0x2f: {  	lr =	sadd.s32 s0, s3;
	s0 =	sld [smem:$0x3FAE]  }
0x30: {  	s3 =	sld [smem:$0x3FB1]  }
0x31: {  	[smem:$0x3FBA] =	sst s10  }
0x32: {  	s10 =	sld [smem:$0x3FB8];
	_ =	sdelay $0x3  }
0x33: {  	p0 =	seq.s32 s10, $0x1;
	s10 =	sld [smem:$0x3FBA];
	_ =	sdelay $0x3  }
0x34: {  	[smem:$0x3FBA] =	sst s10  }
0x35: {  	s10 =	sld [smem:$0x3FB9];
	_ =	sdelay $0x3  }
0x36: {  	p1 =	seq.s32 s10, $0x1;
	s10 =	sld [smem:$0x3FBA];
	_ =	sdelay $0x3  }
0x37: {  	[smem:$0x3FBA] =	sst s10  }
0x38: {  	s10 =	sld [smem:$0x3FBB]  }
0x39: {  	_ = 	snop;
	(pc) =	sbr.ind lr, $3  }
0x3a: {  	_ = 	snop  }
0x3b: {  	_ = 	snop  }
0x3c: {  	p2 =	seq.s32 s10, $0x1;
	s10 =	sld [smem:$0x3FBA]  }
0x3d: {  	_ =	shalt  }
0x3e: {  	_ =	shalt  }
0x3f: {  	_ =	shalt  }
0x40: {  	_ =	shalt  }
0x41: {  	_ =	shalt  }
0x42: {  	_ =	shalt  }
0x43: {  	_ =	shalt  }
0x44: {  	_ =	shalt  }
0x45: {  	_ =	shalt  }
0x46: {  	_ =	shalt  }
0x47: {  	_ =	shalt  }
0x48: {  	_ =	shalt  }
0x49: {  	_ =	shalt  }
0x4a: {  	_ =	shalt  }
0x4b: {  	_ =	shalt  }
0x4c: {  	_ =	shalt  }
0x4d: {  	_ =	shalt  }
0x4e: {  	_ =	shalt  }
0x4f: {  	_ =	shalt  }
0x50: {  	_ =	shalt  }
0x51: {  	_ =	shalt  }
0x52: {  	_ =	shalt  }
0x53: {  	_ =	shalt  }
0x54: {  	_ =	shalt  }
0x55: {  	_ =	shalt  }
0x56: {  	_ =	shalt  }
0x57: {  	_ =	shalt  }
0x58: {  	_ =	shalt  }
0x59: {  	_ =	shalt  }
0x5a: {  	_ =	shalt  }
0x5b: {  	_ =	shalt  }
0x5c: {  	_ =	shalt  }
0x5d: {  	_ =	shalt  }
0x5e: {  	_ =	shalt  }
0x5f: {  	_ =	shalt  }
0x60: {  	_ =	shalt  }
0x61: {  	_ =	shalt  }
0x62: {  	_ =	shalt  }
0x63: {  	_ =	shalt  }
0x64: {  	_ =	shalt  }
0x65: {  	_ =	shalt  }
0x66: {  	_ =	shalt  }
0x67: {  	_ =	shalt  }
0x68: {  	_ =	shalt  }
0x69: {  	_ =	shalt  }
0x6a: {  	_ =	shalt  }
0x6b: {  	_ =	shalt  }
0x6c: {  	_ =	shalt  }
0x6d: {  	_ =	shalt  }
0x6e: {  	_ =	shalt  }
0x6f: {  	_ =	shalt  }
0x70: {  	_ =	shalt  }
0x71: {  	_ =	shalt  }
0x72: {  	_ =	shalt  }
0x73: {  	_ =	shalt  }
0x74: {  	_ =	shalt  }
0x75: {  	_ =	shalt  }
0x76: {  	_ =	shalt  }
0x77: {  	_ =	shalt  }
0x78: {  	_ =	shalt  }
0x79: {  	_ =	shalt  }
0x7a: {  	_ =	shalt  }
0x7b: {  	_ =	shalt  }
0x7c: {  	_ =	shalt  }
0x7d: {  	_ =	shalt  }
0x7e: {  	_ =	shalt  }
0x7f: {  	_ =	shalt  }
0x80: {  	_ =	shalt  }
0x81: {  	_ =	shalt  }
0x82: {  	_ =	shalt  }
0x83: {  	_ =	shalt  }
0x84: {  	_ =	shalt  }
0x85: {  	_ =	shalt  }
0x86: {  	_ =	shalt  }
0x87: {  	_ =	shalt  }
.Lfunc_end0:
.L_simem_size_0:
called_computation_lowered:
.L_overlay_start_0:
0x88: {  	s2 =	sld [smem:$0x3FD9]  }
0x89: {  	s3 =	sld [smem:$0x3FFE];
	_ =	sdelay $0x1  }
0x8a: {  	s1 =	srdreg.scid  }
0x8b: {  	s0 =	sand.u32 $0x1, s1  }
0x8c: {  	s17 =	sshll.u32 s0, $0xA;
	s2 =	sadd.s32 s3, s2  }
0x8d: {  	s2 =	sadd.s32 s2, s17  }
0x8e: {  	[smem:$0x3FC6] =	sst s2  }
0x8f: {  	_ = 	snop  }
0x90: {  	s2 =	sld [smem:$0x3FC8]  }
0x91: {  	s18 =	sld [smem:$0x3FD0];
	(tm) =	ssettm $0x1  }
0x92: {  	s4 =	sld [smem:$0x3FFB];
	_ =	sdelay $0x3  }
0x93: {  	_ =	strace s4  }
0x94: {  	s4 =	sld [smem:$0x3FFC];
	_ =	sdelay $0x3  }
0x95: {  	_ =	strace s4  }
0x96: {  	s4 =	sld [smem:$0x3FFD];
	_ =	sdelay $0x3  }
0x97: {  	_ =	strace s4  }
0x98: {  	_ =	strace $0x8FFFFFFF  }
0x99: {  	s19 =	sld [smem:$0x3FDB];
	_ =	sdelay $0x1  }
0x9a: {  	s5 =	simm.s32 $_scs_section_size  }
0x9b: {  	s6 =	simm.s32 $_size__tile_overlayer_lowered;
	s7 =	simm.s32 $_tile_overlayer_lowered  }
0x9c: {  	s22 =	simm.s32 $0x1BFF;
	s21 =	sshll.u32 s7, $0x1;
	s4 =	sadd.s32 s5, s19  }
0x9d: {  	s8 =	simm.s32 $0x0;
	s20 =	sshll.u32 s6, $0x1;
	s6 =	sadd.s32 s21, s4  }
0x9e: {  	[timem:s8], [sflag:s22] =	dma.local [hbm:s6], s20  }
0x9f: {  	_ =	swait.ge [sflag:s22], s20  }
0xa0: {  	s5 =	ssub.s32 $0x0, s20;
	[sflag:s22] =	ssyncset.done $0x0  }
0xa1: {  	[sflag:s22] =	ssyncadd.s32 s5;
	_ =	sdelay $0x1  }
0xa2: {  	s23 =	simm.s32 $0x1B8B  }
0xa3: {  	_ =	swait.ge [sflag:s23], $0x1  }
0xa4: {  	[sflag:s23] =	ssyncset.done $0x0  }
0xa5: {  	s25 =	simm.s32 $0x1B8E;
	s24 =	sld [smem:$0x3FFE];
	[sflag:s23] =	ssyncadd.s32 $0xFFFFFFFF  }
0xa6: {  	s26 =	simm.s32 $execute0_lowered;
	[smem:$0x3FD2] =	sst s25  }
0xa7: {  	s6 =	sshll.u32 s26, $0x1;
	_ =	strace $0x80000046;
	[dreg:$0x1] =	wrdreg $0xFFFFFFFF  }
0xa8: {  	s28 =	simm.s32 $_size_execute0_lowered;
	s4 =	sadd.s32 s4, s6;
	[dreg:$0x0] =	wrdreg $0x0  }
0xa9: {  	s6 =	sshll.u32 s28, $0x1;
	[dreg:$0x2] =	wrdreg s4  }
0xaa: {  	[dreg:$0x3] =	wrdreg s6  }
0xab: {  	[dreg:$0x4] =	wrdreg $0xC0  }
0xac: {  	_ =	task [dreg:s8], $0x5FFFF  }
0xad: {  	[dreg:$0x1] =	wrdreg $0xFFFFFFFF  }
0xae: {  	[dreg:$0x0] =	wrdreg $0x60  }
0xaf: {  	[dreg:$0x2] =	wrdreg s2  }
0xb0: {  	[dreg:$0x3] =	wrdreg s24  }
0xb1: {  	[dreg:$0x4] =	wrdreg s18  }
0xb2: {  	[dreg:$0x5] =	wrdreg $0x9  }
0xb3: {  	_ =	task.clear_ibuf [dreg:s8], $0x6FFFF;
	_ =	strace $0x90000046  }
0xb4: {  	s29 =	simm.s32 $0x9;
	_ =	strace $0x80000048  }
0xb5: {  	_ =	swait.ge [sflag:s29], $0x1  }
0xb6: {  	[sflag:s29] =	ssyncadd.s32 $0xFFFFFFFF  }
0xb7: {  	_ =	strace $0x90000048  }
0xb8: {  	_ =	sfence  }
0xb9: {  	s30 =	sld [smem:$0x0];
	_ =	sdelay $0x2  }
0xba: {  	s31 =	sshll.u32 s1, $0xD;
	s1 =	sshrl.u32 s1, $0x2  }
0xbb: {  	s3 =	sand.u32 $0x4000, s31;
	s1 =	sadd.s32 s1, s30  }
0xbc: {  	s0 =	sor.u32 s3, s0;
	s1 =	sshll.u32 s1, $0x11  }
0xbd: {  	s0 =	sor.u32 s1, s0  }
0xbe: {  	s0 =	sadd.s32 $0x8F2B, s0  }
0xbf: {  	[sflag:s0] =	ssyncadd.remote.s32 $0x1  }
0xc0: {  	_ =	sfence.sel $0xFFFF  }
0xc1: {  	[dreg:$0x0] =	wrdreg $0xFFFFFFFF;
	(pc) =	sbr.abs _section_cstart, $3  }
0xc2: {  	[dreg:$0x1] =	wrdreg $0xFFFFFFFF  }
0xc3: {  	_ =	task.clear_ibuf [dreg:s8], $0x2FFFF;
	_ =	strace $0x9FFFFFFF  }
0xc4: {  	(tm) =	ssettm $0x7FFFFFFF  }
0xc5: {  	_ =	shalt  }
tec
execute0_lowered:
.L_overlay_start_1:
0x0: {  	(tag) =	ssettag $0x1  }
0x1: {  	s1 =	rddreg [dreg:$0x0]  }
0x2: {  	s2 =	srdreg.scid;
	s4 =	rddreg [dreg:$0x1]  }
0x3: {  	s0 =	stileid.u32;
	s6 =	rddreg [dreg:$0x2]  }
0x4: {  	s18 =	simm.s32 $0x900;
	s19 =	simm.s32 $0x1100;
	s20 =	simm.s32 $0x1900  }
0x5: {  	s21 =	simm.s32 $0x2100;
	s22 =	simm.s32 $0x2900;
	s24 =	simm.s32 $0x3100  }
0x6: {  	s25 =	simm.s32 $0x3900;
	s26 =	simm.s32 $0x4100;
	s9 =	simm.s32 $0x5100  }
0x7: {  	s10 =	simm.s32 $0x5900;
	s11 =	simm.s32 $0x6100;
	s2 =	sand.u32 $0x1, s2  }
0x8: {  	s12 =	simm.s32 $0x6900;
	s3 =	sshll.u32 s0, $0x9;
	s5 =	sshll.u32 s2, $0x8  }
0x9: {  	s13 =	simm.s32 $0x7100;
	s5 =	sor.u32 s5, s3;
	s3 =	simm.s32 $0x0  }
0xa: {  	s14 =	simm.s32 $0x7900;
	s15 =	simm.s32 $0x8100;
	[smem:$0x7FF] =	sst s3  }
0xb: {  	s16 =	simm.s32 $0x8900;
	_ =	strace $0x80000047;
	[dreg:$0x6] =	wrdreg s18  }
0xc: {  	s17 =	simm.s32 $0x9100;
	s28 =	simm.s32 $0xE100;
	[dreg:$0x7] =	wrdreg s19  }
0xd: {  	s29 =	simm.s32 $0xE900;
	s30 =	simm.s32 $0xF100;
	[dreg:$0x8] =	wrdreg s20  }
0xe: {  	s31 =	simm.s32 $0xF900;
	s2 =	ssub.s32 $0x2, s2;
	[dreg:$0x9] =	wrdreg s21  }
0xf: {  	s23 =	sshrl.u32 s2, $0x1;
	s7 =	sshrl.u32 s5, $0x3;
	[dreg:$0xa] =	wrdreg s22  }
0x10: {  	s5 =	sshll.u32 s5, $0x5;
	s2 =	ssub.s32 s2, s23;
	[dreg:$0xb] =	wrdreg s24  }
0x11: {  	s23 =	simm.s32 $0xC100;
	s4 =	sadd.s32 s7, s4;
	[dreg:$0xc] =	wrdreg s25  }
0x12: {  	[dreg:$0xd] =	wrdreg s26;
	s18 =	simm.s32 $0x9900;
	s19 =	simm.s32 $0xA100  }
0x13: {  	s20 =	simm.s32 $0xA900;
	s21 =	simm.s32 $0xB100;
	s22 =	simm.s32 $0xB900  }
0x14: {  	s24 =	simm.s32 $0xC900;
	s25 =	simm.s32 $0xD100;
	s26 =	simm.s32 $0xD900  }
0x15: {  	v2 =	vlaneseq.u32;
	s7 =	sadd.s32 $0x1800, s4;
	s4 =	sadd.s32 s6, s5;
	s6 =	simm.s32 $0x2  }
0x16: {  	vm0 =	vmmov $0xffff;
	v1 =	vshrl.u32 v2, $0x3;
	[dreg:$0x4] =	wrdreg s7;
	s5 =	sadd.s32 $0x1000, s4;
	s7 =	simm.s32 $0x100  }
0x17: {  	v0 =	vand.u32 $0x7, v2;
	v2 =	vor.u32 $0x8, v2;
	v1 =	vmul.u32 $0x8, v1;
	[dreg:$0x5] =	wrdreg s5;
	s5 =	smax.u32 s2, $0x1;
	s2 =	simm.s32 $0x1  }
.LBB2_1:
0x18: {  	s0 =	rddreg [dreg:$0x4]  }
0x19: {  	[tilespmem:s3], [sflag:$0x2] =	stream.linear.gather [hbm4b:s0+s3], $0x100, $0x38;
	[tilespmem:$0x10100] =	vst v63  }
0x1a: {  	_ =	swait.ge [sflag:s6], $0x100  }
0x1b: {  	[sflag:s6] =	ssyncset.done $0x0  }
0x1c: {  	[sflag:s6] =	ssyncadd.s32 $0xFFFFFF00  }
0x1d: {  	v3 =	vld [tilespmem:$0x0];
	_ =	sdelay $0x4  }
0x1e: {  	v4 =	vshll.u32 v3, $0x1  }
0x1f: {  	v3 =	vand.u32 $0x7, v3;
	v4 =	vand.u32 $0xFFFFFFF0, v4  }
0x20: {  	v3 =	vor.u32 v3, v4  }
0x21: {  	v4 =	vperm.xlane v3, v0;
	_ =	sdelay $0x1  }
0x22: {  	v3 =	vperm.xlane v3, v2;
	v4 =	vadd.s32 v1, v4;
	_ =	sdelay $0x1  }
0x23: {  	v3 =	vadd.s32 v1, v3;
	_ =	sdelay $0x2  }
0x24: {  	[tilespmem:s7], [sflag:$0x1] =	stream.indirect_vreg.gather [hbm4b:s1+s3], $0x80, v4, vm0, $0xb8;
	[tilespmem:$0x10100] =	vst v63  }
0x25: {  	s8 =	rddreg [dreg:$0x6]  }
0x26: {  	[tilespmem:s8], [sflag:$0x1] =	stream.indirect_vreg.gather [hbm4b:s1+s3], $0x80, v3, vm0, $0xb8;
	[tilespmem:$0x10100] =	vst v63  }
0x27: {  	v3 =	vld [tilespmem:$0x10];
	_ =	sdelay $0x4  }
0x28: {  	v49 =	vshll.u32 v3, $0x1  }
0x29: {  	v3 =	vand.u32 $0x7, v3;
	v4 =	vand.u32 $0xFFFFFFF0, v49  }
0x2a: {  	v3 =	vor.u32 v3, v4  }
0x2b: {  	v4 =	vperm.xlane v3, v0;
	_ =	sdelay $0x1  }
0x2c: {  	v3 =	vperm.xlane v3, v2;
	v4 =	vadd.s32 v1, v4;
	_ =	sdelay $0x1  }
0x2d: {  	v3 =	vadd.s32 v1, v3;
	_ =	sdelay $0x1  }
0x2e: {  	s0 =	rddreg [dreg:$0x7]  }
0x2f: {  	[tilespmem:s0], [sflag:$0x1] =	stream.indirect_vreg.gather [hbm4b:s1+s3], $0x80, v4, vm0, $0xb8;
	[tilespmem:$0x10100] =	vst v63  }
0x30: {  	s8 =	rddreg [dreg:$0x8]  }
0x31: {  	[tilespmem:s8], [sflag:$0x1] =	stream.indirect_vreg.gather [hbm4b:s1+s3], $0x80, v3, vm0, $0xb8;
	[tilespmem:$0x10100] =	vst v63  }
0x32: {  	v3 =	vld [tilespmem:$0x20];
	_ =	sdelay $0x4  }
0x33: {  	v50 =	vshll.u32 v3, $0x1  }
0x34: {  	v3 =	vand.u32 $0x7, v3;
	v4 =	vand.u32 $0xFFFFFFF0, v50  }
0x35: {  	v3 =	vor.u32 v3, v4  }
0x36: {  	v4 =	vperm.xlane v3, v0;
	_ =	sdelay $0x1  }
0x37: {  	v3 =	vperm.xlane v3, v2;
	v4 =	vadd.s32 v1, v4;
	_ =	sdelay $0x1  }
0x38: {  	v3 =	vadd.s32 v1, v3;
	_ =	sdelay $0x1  }
0x39: {  	s0 =	rddreg [dreg:$0x9]  }
0x3a: {  	[tilespmem:s0], [sflag:$0x1] =	stream.indirect_vreg.gather [hbm4b:s1+s3], $0x80, v4, vm0, $0xb8;
	[tilespmem:$0x10100] =	vst v63  }
0x3b: {  	s8 =	rddreg [dreg:$0xa]  }
0x3c: {  	[tilespmem:s8], [sflag:$0x1] =	stream.indirect_vreg.gather [hbm4b:s1+s3], $0x80, v3, vm0, $0xb8;
	[tilespmem:$0x10100] =	vst v63  }
0x3d: {  	v3 =	vld [tilespmem:$0x30];
	_ =	sdelay $0x4  }
0x3e: {  	v51 =	vshll.u32 v3, $0x1  }
0x3f: {  	v3 =	vand.u32 $0x7, v3;
	v4 =	vand.u32 $0xFFFFFFF0, v51  }
0x40: {  	v3 =	vor.u32 v3, v4  }
0x41: {  	v4 =	vperm.xlane v3, v0;
	_ =	sdelay $0x1  }
0x42: {  	v3 =	vperm.xlane v3, v2;
	v4 =	vadd.s32 v1, v4;
	_ =	sdelay $0x1  }
0x43: {  	v3 =	vadd.s32 v1, v3;
	_ =	sdelay $0x1  }
0x44: {  	s0 =	rddreg [dreg:$0xb]  }
0x45: {  	[tilespmem:s0], [sflag:$0x1] =	stream.indirect_vreg.gather [hbm4b:s1+s3], $0x80, v4, vm0, $0xb8;
	[tilespmem:$0x10100] =	vst v63  }
0x46: {  	s8 =	rddreg [dreg:$0xc]  }
0x47: {  	[tilespmem:s8], [sflag:$0x1] =	stream.indirect_vreg.gather [hbm4b:s1+s3], $0x80, v3, vm0, $0xb8;
	[tilespmem:$0x10100] =	vst v63  }
0x48: {  	v3 =	vld [tilespmem:$0x40];
	_ =	sdelay $0x4  }
0x49: {  	v52 =	vshll.u32 v3, $0x1  }
0x4a: {  	v3 =	vand.u32 $0x7, v3;
	v4 =	vand.u32 $0xFFFFFFF0, v52  }
0x4b: {  	v3 =	vor.u32 v3, v4  }
0x4c: {  	v4 =	vperm.xlane v3, v0;
	_ =	sdelay $0x1  }
0x4d: {  	v3 =	vperm.xlane v3, v2;
	v4 =	vadd.s32 v1, v4;
	_ =	sdelay $0x1  }
0x4e: {  	v3 =	vadd.s32 v1, v3;
	_ =	sdelay $0x1  }
0x4f: {  	s8 =	rddreg [dreg:$0xd]  }
0x50: {  	[tilespmem:s8], [sflag:$0x1] =	stream.indirect_vreg.gather [hbm4b:s1+s3], $0x80, v4, vm0, $0xb8;
	[tilespmem:$0x10100] =	vst v63  }
0x51: {  	s8 =	simm.s32 $0x4900  }
0x52: {  	[tilespmem:s8], [sflag:$0x1] =	stream.indirect_vreg.gather [hbm4b:s1+s3], $0x80, v3, vm0, $0xb8;
	[tilespmem:$0x10100] =	vst v63  }
0x53: {  	v3 =	vld [tilespmem:$0x50];
	_ =	sdelay $0x4  }
0x54: {  	v53 =	vshll.u32 v3, $0x1  }
0x55: {  	v3 =	vand.u32 $0x7, v3;
	v4 =	vand.u32 $0xFFFFFFF0, v53  }
0x56: {  	v3 =	vor.u32 v3, v4  }
0x57: {  	v4 =	vperm.xlane v3, v0;
	_ =	sdelay $0x1  }
0x58: {  	v3 =	vperm.xlane v3, v2;
	v4 =	vadd.s32 v1, v4;
	_ =	sdelay $0x1  }
0x59: {  	v3 =	vadd.s32 v1, v3;
	_ =	sdelay $0x2  }
0x5a: {  	[tilespmem:s9], [sflag:$0x1] =	stream.indirect_vreg.gather [hbm4b:s1+s3], $0x80, v4, vm0, $0xb8;
	[tilespmem:$0x10100] =	vst v63  }
0x5b: {  	_ = 	snop  }
0x5c: {  	[tilespmem:s10], [sflag:$0x1] =	stream.indirect_vreg.gather [hbm4b:s1+s3], $0x80, v3, vm0, $0xb8;
	[tilespmem:$0x10100] =	vst v63  }
0x5d: {  	v3 =	vld [tilespmem:$0x60];
	_ =	sdelay $0x4  }
0x5e: {  	v54 =	vshll.u32 v3, $0x1  }
0x5f: {  	v3 =	vand.u32 $0x7, v3;
	v4 =	vand.u32 $0xFFFFFFF0, v54  }
0x60: {  	v3 =	vor.u32 v3, v4  }
0x61: {  	v4 =	vperm.xlane v3, v0;
	_ =	sdelay $0x1  }
0x62: {  	v3 =	vperm.xlane v3, v2;
	v4 =	vadd.s32 v1, v4;
	_ =	sdelay $0x1  }
0x63: {  	v3 =	vadd.s32 v1, v3;
	_ =	sdelay $0x2  }
0x64: {  	[tilespmem:s11], [sflag:$0x1] =	stream.indirect_vreg.gather [hbm4b:s1+s3], $0x80, v4, vm0, $0xb8;
	[tilespmem:$0x10100] =	vst v63  }
0x65: {  	_ = 	snop  }
0x66: {  	[tilespmem:s12], [sflag:$0x1] =	stream.indirect_vreg.gather [hbm4b:s1+s3], $0x80, v3, vm0, $0xb8;
	[tilespmem:$0x10100] =	vst v63  }
0x67: {  	v3 =	vld [tilespmem:$0x70];
	_ =	sdelay $0x4  }
0x68: {  	v55 =	vshll.u32 v3, $0x1  }
0x69: {  	v3 =	vand.u32 $0x7, v3;
	v4 =	vand.u32 $0xFFFFFFF0, v55  }
0x6a: {  	v3 =	vor.u32 v3, v4  }
0x6b: {  	v4 =	vperm.xlane v3, v0;
	_ =	sdelay $0x1  }
0x6c: {  	v3 =	vperm.xlane v3, v2;
	v4 =	vadd.s32 v1, v4;
	_ =	sdelay $0x1  }
0x6d: {  	v3 =	vadd.s32 v1, v3;
	_ =	sdelay $0x2  }
0x6e: {  	[tilespmem:s13], [sflag:$0x1] =	stream.indirect_vreg.gather [hbm4b:s1+s3], $0x80, v4, vm0, $0xb8;
	[tilespmem:$0x10100] =	vst v63  }
0x6f: {  	_ = 	snop  }
0x70: {  	[tilespmem:s14], [sflag:$0x1] =	stream.indirect_vreg.gather [hbm4b:s1+s3], $0x80, v3, vm0, $0xb8;
	[tilespmem:$0x10100] =	vst v63  }
0x71: {  	v3 =	vld [tilespmem:$0x80];
	_ =	sdelay $0x4  }
0x72: {  	v56 =	vshll.u32 v3, $0x1  }
0x73: {  	v3 =	vand.u32 $0x7, v3;
	v4 =	vand.u32 $0xFFFFFFF0, v56  }
0x74: {  	v3 =	vor.u32 v3, v4  }
0x75: {  	v4 =	vperm.xlane v3, v0;
	_ =	sdelay $0x1  }
0x76: {  	v3 =	vperm.xlane v3, v2;
	v4 =	vadd.s32 v1, v4;
	_ =	sdelay $0x1  }
0x77: {  	v3 =	vadd.s32 v1, v3;
	_ =	sdelay $0x2  }
0x78: {  	[tilespmem:s15], [sflag:$0x1] =	stream.indirect_vreg.gather [hbm4b:s1+s3], $0x80, v4, vm0, $0xb8;
	[tilespmem:$0x10100] =	vst v63  }
0x79: {  	_ = 	snop  }
0x7a: {  	[tilespmem:s16], [sflag:$0x1] =	stream.indirect_vreg.gather [hbm4b:s1+s3], $0x80, v3, vm0, $0xb8;
	[tilespmem:$0x10100] =	vst v63  }
0x7b: {  	v3 =	vld [tilespmem:$0x90];
	_ =	sdelay $0x4  }
0x7c: {  	v57 =	vshll.u32 v3, $0x1  }
0x7d: {  	v3 =	vand.u32 $0x7, v3;
	v4 =	vand.u32 $0xFFFFFFF0, v57  }
0x7e: {  	v3 =	vor.u32 v3, v4  }
0x7f: {  	v4 =	vperm.xlane v3, v0;
	_ =	sdelay $0x1  }
0x80: {  	v3 =	vperm.xlane v3, v2;
	v4 =	vadd.s32 v1, v4;
	_ =	sdelay $0x1  }
0x81: {  	v3 =	vadd.s32 v1, v3;
	_ =	sdelay $0x2  }
0x82: {  	[tilespmem:s17], [sflag:$0x1] =	stream.indirect_vreg.gather [hbm4b:s1+s3], $0x80, v4, vm0, $0xb8;
	[tilespmem:$0x10100] =	vst v63  }
0x83: {  	_ = 	snop  }
0x84: {  	[tilespmem:s18], [sflag:$0x1] =	stream.indirect_vreg.gather [hbm4b:s1+s3], $0x80, v3, vm0, $0xb8;
	[tilespmem:$0x10100] =	vst v63  }
0x85: {  	v3 =	vld [tilespmem:$0xA0];
	_ =	sdelay $0x4  }
0x86: {  	v58 =	vshll.u32 v3, $0x1  }
0x87: {  	v3 =	vand.u32 $0x7, v3;
	v4 =	vand.u32 $0xFFFFFFF0, v58  }
0x88: {  	v3 =	vor.u32 v3, v4  }
0x89: {  	v4 =	vperm.xlane v3, v0;
	_ =	sdelay $0x1  }
0x8a: {  	v3 =	vperm.xlane v3, v2;
	v4 =	vadd.s32 v1, v4;
	_ =	sdelay $0x1  }
0x8b: {  	v3 =	vadd.s32 v1, v3;
	_ =	sdelay $0x2  }
0x8c: {  	[tilespmem:s19], [sflag:$0x1] =	stream.indirect_vreg.gather [hbm4b:s1+s3], $0x80, v4, vm0, $0xb8;
	[tilespmem:$0x10100] =	vst v63  }
0x8d: {  	_ = 	snop  }
0x8e: {  	[tilespmem:s20], [sflag:$0x1] =	stream.indirect_vreg.gather [hbm4b:s1+s3], $0x80, v3, vm0, $0xb8;
	[tilespmem:$0x10100] =	vst v63  }
0x8f: {  	v3 =	vld [tilespmem:$0xB0];
	_ =	sdelay $0x4  }
0x90: {  	v59 =	vshll.u32 v3, $0x1  }
0x91: {  	v3 =	vand.u32 $0x7, v3;
	v4 =	vand.u32 $0xFFFFFFF0, v59  }
0x92: {  	v3 =	vor.u32 v3, v4  }
0x93: {  	v4 =	vperm.xlane v3, v0;
	_ =	sdelay $0x1  }
0x94: {  	v3 =	vperm.xlane v3, v2;
	v4 =	vadd.s32 v1, v4;
	_ =	sdelay $0x1  }
0x95: {  	v3 =	vadd.s32 v1, v3;
	_ =	sdelay $0x2  }
0x96: {  	[tilespmem:s21], [sflag:$0x1] =	stream.indirect_vreg.gather [hbm4b:s1+s3], $0x80, v4, vm0, $0xb8;
	[tilespmem:$0x10100] =	vst v63  }
0x97: {  	_ = 	snop  }
0x98: {  	[tilespmem:s22], [sflag:$0x1] =	stream.indirect_vreg.gather [hbm4b:s1+s3], $0x80, v3, vm0, $0xb8;
	[tilespmem:$0x10100] =	vst v63  }
0x99: {  	v3 =	vld [tilespmem:$0xC0];
	_ =	sdelay $0x4  }
0x9a: {  	v60 =	vshll.u32 v3, $0x1  }
0x9b: {  	v3 =	vand.u32 $0x7, v3;
	v4 =	vand.u32 $0xFFFFFFF0, v60  }
0x9c: {  	v3 =	vor.u32 v3, v4  }
0x9d: {  	v4 =	vperm.xlane v3, v0;
	_ =	sdelay $0x1  }
0x9e: {  	v3 =	vperm.xlane v3, v2;
	v4 =	vadd.s32 v1, v4;
	_ =	sdelay $0x1  }
0x9f: {  	v3 =	vadd.s32 v1, v3;
	_ =	sdelay $0x2  }
0xa0: {  	[tilespmem:s23], [sflag:$0x1] =	stream.indirect_vreg.gather [hbm4b:s1+s3], $0x80, v4, vm0, $0xb8;
	[tilespmem:$0x10100] =	vst v63  }
0xa1: {  	_ = 	snop  }
0xa2: {  	[tilespmem:s24], [sflag:$0x1] =	stream.indirect_vreg.gather [hbm4b:s1+s3], $0x80, v3, vm0, $0xb8;
	[tilespmem:$0x10100] =	vst v63  }
0xa3: {  	v3 =	vld [tilespmem:$0xD0];
	_ =	sdelay $0x4  }
0xa4: {  	v61 =	vshll.u32 v3, $0x1  }
0xa5: {  	v3 =	vand.u32 $0x7, v3;
	v4 =	vand.u32 $0xFFFFFFF0, v61  }
0xa6: {  	v3 =	vor.u32 v3, v4  }
0xa7: {  	v4 =	vperm.xlane v3, v0;
	_ =	sdelay $0x1  }
0xa8: {  	v3 =	vperm.xlane v3, v2;
	v4 =	vadd.s32 v1, v4;
	_ =	sdelay $0x1  }
0xa9: {  	v3 =	vadd.s32 v1, v3;
	_ =	sdelay $0x2  }
0xaa: {  	[tilespmem:s25], [sflag:$0x1] =	stream.indirect_vreg.gather [hbm4b:s1+s3], $0x80, v4, vm0, $0xb8;
	[tilespmem:$0x10100] =	vst v63  }
0xab: {  	_ = 	snop  }
0xac: {  	[tilespmem:s26], [sflag:$0x1] =	stream.indirect_vreg.gather [hbm4b:s1+s3], $0x80, v3, vm0, $0xb8;
	[tilespmem:$0x10100] =	vst v63  }
0xad: {  	v3 =	vld [tilespmem:$0xE0];
	_ =	sdelay $0x4  }
0xae: {  	v62 =	vshll.u32 v3, $0x1  }
0xaf: {  	v3 =	vand.u32 $0x7, v3;
	v4 =	vand.u32 $0xFFFFFFF0, v62  }
0xb0: {  	v3 =	vor.u32 v3, v4  }
0xb1: {  	v4 =	vperm.xlane v3, v0;
	_ =	sdelay $0x1  }
0xb2: {  	v3 =	vperm.xlane v3, v2;
	v4 =	vadd.s32 v1, v4;
	_ =	sdelay $0x1  }
0xb3: {  	v3 =	vadd.s32 v1, v3;
	_ =	sdelay $0x2  }
0xb4: {  	[tilespmem:s28], [sflag:$0x1] =	stream.indirect_vreg.gather [hbm4b:s1+s3], $0x80, v4, vm0, $0xb8;
	[tilespmem:$0x10100] =	vst v63  }
0xb5: {  	_ = 	snop  }
0xb6: {  	[tilespmem:s29], [sflag:$0x1] =	stream.indirect_vreg.gather [hbm4b:s1+s3], $0x80, v3, vm0, $0xb8;
	[tilespmem:$0x10100] =	vst v63  }
0xb7: {  	v3 =	vld [tilespmem:$0xF0];
	_ =	sdelay $0x4  }
0xb8: {  	v63 =	vshll.u32 v3, $0x1  }
0xb9: {  	v3 =	vand.u32 $0x7, v3;
	v4 =	vand.u32 $0xFFFFFFF0, v63  }
0xba: {  	v3 =	vor.u32 v3, v4  }
0xbb: {  	v4 =	vperm.xlane v3, v0;
	_ =	sdelay $0x1  }
0xbc: {  	v3 =	vperm.xlane v3, v2;
	v4 =	vadd.s32 v1, v4;
	_ =	sdelay $0x1  }
0xbd: {  	v3 =	vadd.s32 v1, v3;
	_ =	sdelay $0x2  }
0xbe: {  	[tilespmem:s30], [sflag:$0x1] =	stream.indirect_vreg.gather [hbm4b:s1+s3], $0x80, v4, vm0, $0xb8;
	[tilespmem:$0x10100] =	vst v63  }
0xbf: {  	_ = 	snop  }
0xc0: {  	[tilespmem:s31], [sflag:$0x1] =	stream.indirect_vreg.gather [hbm4b:s1+s3], $0x80, v3, vm0, $0xb8;
	[tilespmem:$0x10100] =	vst v63  }
0xc1: {  	_ =	swait.ge [sflag:s2], $0x8000  }
0xc2: {  	[sflag:s2] =	ssyncset.done $0x0  }
0xc3: {  	[sflag:s2] =	ssyncadd.s32 $0xFFFF8000  }
0xc4: {  	[hbm4b:s4+s3] =	stream.linear.scatter [tilespmem:s7], [sflag:$0x2], $0x8000, $0x38;
	[tilespmem:$0x10100] =	vst v63  }
0xc5: {  	_ =	swait.ge [sflag:s6], $0x8000  }
0xc6: {  	[sflag:s6] =	ssyncset.done $0x0  }
0xc7: {  	[sflag:s6] =	ssyncadd.s32 $0xFFFF8000  }
0xc8: {  	_ =	swait.ge [sflag:s2], $0x8000  }
0xc9: {  	p0 =	sne.s32 s5, $0x1;
	[sflag:s2] =	ssyncset.done $0x0  }
.Ltmp0:
0xca: {  	s8 =	rddreg [dreg:$0x5];
	[sflag:s2] =	ssyncadd.s32 $0xFFFF8000;
	(pc) =	sbr.rel @p0 .LBB2_1-.Ltmp0, $4  }
0xcb: {  	[hbm4b:s8+s3] =	stream.linear.scatter [tilespmem:s15], [sflag:$0x2], $0x8000, $0x38;
	[tilespmem:$0x10100] =	vst v63  }
0xcc: {  	_ =	swait.ge [sflag:s6], $0x8000  }
0xcd: {  	[sflag:s6] =	ssyncset.done $0x0  }
0xce: {  	s5 =	sadd.s32 $0xFFFFFFFF, s5;
	[sflag:s6] =	ssyncadd.s32 $0xFFFF8000  }
0xcf: {  	_ =	sfence.sel $0x180000  }
0xd0: {  	[bflag:$0x0] =	sbarrier.arrive $0xFFFF  }
0xd1: {  	_ =	strace $0x90000047  }
0xd2: {  	s0 =	stileid.u32;
	[bflag:$0x2] =	sbarrier.arrive $0xFFFF  }
0xd3: {  	p0 =	sne.s32 s0, $0x0;
	s0 =	rddreg [dreg:$0x3]  }
0xd4: {  	s0 =	sadd.s32 @!p0 $0x100000, s0  }
0xd5: {  	[sflag:s0] =	ssyncadd.tile.s32 @!p0 $0x1;
	_ =	shalt  }
.Lfunc_end2:
_tile_overlayer_lowered:
.L_overlay_start_2:
0xd6: {  	(tag) =	ssettag $0x2  }
0xd7: {  	s0 =	rddreg [dreg:$0x0];
	s2 =	stileid.u32  }
0xd8: {  	s1 =	rddreg [dreg:$0x1];
	p0 =	sne.s32 s2, $0x0  }
0xd9: {  	s3 =	rddreg [dreg:$0x2];
	[bflag:$0x3] =	sbarrier.arrive $0xFFFF;
	s2 =	simm.s32 @!p0 $0x1C02  }
0xda: {  	[timem:s3], [sflag:s2] =	dma.local @!p0 [hbm:s0], s1  }
0xdb: {  	s0 =	simm.s32 @!p0 $0x2  }
0xdc: {  	_ =	swait.ge @!p0 [sflag:s0], s1  }
0xdd: {  	s1 =	ssub.s32 @!p0 $0x0, s1;
	[sflag:s0] =	ssyncset.done @!p0 $0x0  }
0xde: {  	[sflag:s0] =	ssyncadd.s32 @!p0 s1  }
0xdf: {  	[bflag:$0x3] =	sbarrier.arrive $0xFFFF  }
0xe0: {  	_ =	shalt  }

// kernel: kernel.13.cloned.1.call-start
scs
__scs_entry_jumppad:
0x0: {  	(pc) =	sbr.rel $0x88, $3  }
0x1: {  	(tag) =	ssettag $0x0;
	lr =	simm.s32 $0x1  }
0x2: {  	[smem:$0x3F9F] =	sst lr;
	_ =	strace $0xD0000000  }
0x3: {  	_ = 	snop  }
0x4: {  	_ = 	snop  }
0x5: {  	_ = 	snop  }
0x6: {  	_ = 	snop  }
0x7: {  	_ = 	snop  }
__scs_overlays_trampoline_lowered:
0x8: {  	[smem:$0x3FAE] =	sst s0  }
0x9: {  	[smem:$0x3FAF] =	sst s1  }
0xa: {  	[smem:$0x3FB0] =	sst s2  }
0xb: {  	[smem:$0x3FB1] =	sst s3  }
0xc: {  	[smem:$0x3FB2] =	sst s4  }
0xd: {  	[smem:$0x3FB3] =	sst s5  }
0xe: {  	[smem:$0x3FB4] =	sst s6  }
0xf: {  	[smem:$0x3FB5] =	sst s7  }
0x10: {  	[smem:$0x3FB6] =	sst s8  }
0x11: {  	[smem:$0x3FB7] =	sst s9;
	s0 =	simm.s32 @!p0 $0x0  }
0x12: {  	s1 =	sld [smem:$0x3F9D];
	s0 =	simm.s32 @p0 $0x1  }
0x13: {  	[smem:$0x3FB8] =	sst s0;
	s0 =	simm.s32 @!p1 $0x0  }
0x14: {  	s2 =	sld [smem:$0x3F9C];
	s0 =	simm.s32 @p1 $0x1  }
0x15: {  	[smem:$0x3FB9] =	sst s0;
	s0 =	simm.s32 @!p2 $0x0  }
0x16: {  	s3 =	sld [smem:$0x3FDB];
	s0 =	simm.s32 @p2 $0x1  }
0x17: {  	s4 =	simm.s32 $0x1BF5;
	[smem:$0x3FBB] =	sst s0  }
0x18: {  	s0 =	sld [smem:$0x3F9E];
	_ =	swait.ge [sflag:s4], $0x0  }
0x19: {  	s7 =	sld [smem:$0x3F9F]  }
0x1a: {  	s8 =	sadd.s32 $0xFFFFE003, lr  }
0x1b: {  	s9 =	sadd.s32 $0xFFFFFEF7, lr;
	s5 =	simm.s32 $0xFFFFFFFF;
	p2 =	slt.u32 s8, $0xFFFFF086  }
0x1c: {  	p1 =	slt.u32 s9, $0xF7A;
	s5 =	simm.s32 @!p2 $0x0  }
0x1d: {  	s5 =	simm.s32 @p1 $0x1;
	p0 =	seq.s32 s7, s2  }
0x1e: {  	s7 =	smul.u32 @!p0 $0xF7A, s2;
	p2 =	seq.s32 @!p0 s5, $0x0  }
0x1f: {  	s9 =	smul.u32 $0xF7A, s1;
	s8 =	simm.s32 @!p0 $0x1BF5;
	p2 =	por !p2, p0  }
0x20: {  	[sflag:s8] =	ssyncset.s32 @!p0 $0xFFFFF086;
	s6 =	sadd.s32 @!p0 s3, s7;
	s7 =	simm.s32 @!p0 $0x108  }
0x21: {  	s3 =	sadd.s32 s3, s9;
	s6 =	sadd.s32 @!p0 $0x88, s6;
	s7 =	simm.s32 @p2 $0x1082  }
0x22: {  	[simem:s7], [sflag:s8] =	dma.local @!p0 [hbm:s6], $0xF7A  }
0x23: {  	s9 =	sor.u32 $0xD0000000, s2;
	s6 =	simm.s32 $0x108;
	_ =	swait.ge @!p0 [sflag:s8], $0x0  }
0x24: {  	s3 =	sadd.s32 $0x88, s3;
	s6 =	simm.s32 @!p1 $0x1082;
	[sflag:s4] =	ssyncset.s32 $0xFFFFF086  }
0x25: {  	[simem:s6], [sflag:s4] =	dma.local [hbm:s3], $0xF7A  }
0x26: {  	[smem:$0x3F9F] =	sst s1;
	(tag) =	ssettag s2;
	_ =	strace s9  }
0x27: {  	s1 =	sld [smem:$0x3FAF]  }
0x28: {  	s2 =	sld [smem:$0x3FB0]  }
0x29: {  	s4 =	sld [smem:$0x3FB2]  }
0x2a: {  	p0 =	seq.s32 s5, $0x0;
	s5 =	sld [smem:$0x3FB3]  }
0x2b: {  	s6 =	sld [smem:$0x3FB4]  }
0x2c: {  	s7 =	sld [smem:$0x3FB5]  }
0x2d: {  	s3 =	simm.s32 $0x108;
	s8 =	sld [smem:$0x3FB6]  }
0x2e: {  	s3 =	simm.s32 @!p0 $0x1082;
	s9 =	sld [smem:$0x3FB7]  }
0x2f: {  	lr =	sadd.s32 s0, s3;
	s0 =	sld [smem:$0x3FAE]  }
0x30: {  	s3 =	sld [smem:$0x3FB1]  }
0x31: {  	[smem:$0x3FBA] =	sst s10  }
0x32: {  	s10 =	sld [smem:$0x3FB8];
	_ =	sdelay $0x3  }
0x33: {  	p0 =	seq.s32 s10, $0x1;
	s10 =	sld [smem:$0x3FBA];
	_ =	sdelay $0x3  }
0x34: {  	[smem:$0x3FBA] =	sst s10  }
0x35: {  	s10 =	sld [smem:$0x3FB9];
	_ =	sdelay $0x3  }
0x36: {  	p1 =	seq.s32 s10, $0x1;
	s10 =	sld [smem:$0x3FBA];
	_ =	sdelay $0x3  }
0x37: {  	[smem:$0x3FBA] =	sst s10  }
0x38: {  	s10 =	sld [smem:$0x3FBB]  }
0x39: {  	_ = 	snop;
	(pc) =	sbr.ind lr, $3  }
0x3a: {  	_ = 	snop  }
0x3b: {  	_ = 	snop  }
0x3c: {  	p2 =	seq.s32 s10, $0x1;
	s10 =	sld [smem:$0x3FBA]  }
0x3d: {  	_ =	shalt  }
0x3e: {  	_ =	shalt  }
0x3f: {  	_ =	shalt  }
0x40: {  	_ =	shalt  }
0x41: {  	_ =	shalt  }
0x42: {  	_ =	shalt  }
0x43: {  	_ =	shalt  }
0x44: {  	_ =	shalt  }
0x45: {  	_ =	shalt  }
0x46: {  	_ =	shalt  }
0x47: {  	_ =	shalt  }
0x48: {  	_ =	shalt  }
0x49: {  	_ =	shalt  }
0x4a: {  	_ =	shalt  }
0x4b: {  	_ =	shalt  }
0x4c: {  	_ =	shalt  }
0x4d: {  	_ =	shalt  }
0x4e: {  	_ =	shalt  }
0x4f: {  	_ =	shalt  }
0x50: {  	_ =	shalt  }
0x51: {  	_ =	shalt  }
0x52: {  	_ =	shalt  }
0x53: {  	_ =	shalt  }
0x54: {  	_ =	shalt  }
0x55: {  	_ =	shalt  }
0x56: {  	_ =	shalt  }
0x57: {  	_ =	shalt  }
0x58: {  	_ =	shalt  }
0x59: {  	_ =	shalt  }
0x5a: {  	_ =	shalt  }
0x5b: {  	_ =	shalt  }
0x5c: {  	_ =	shalt  }
0x5d: {  	_ =	shalt  }
0x5e: {  	_ =	shalt  }
0x5f: {  	_ =	shalt  }
0x60: {  	_ =	shalt  }
0x61: {  	_ =	shalt  }
0x62: {  	_ =	shalt  }
0x63: {  	_ =	shalt  }
0x64: {  	_ =	shalt  }
0x65: {  	_ =	shalt  }
0x66: {  	_ =	shalt  }
0x67: {  	_ =	shalt  }
0x68: {  	_ =	shalt  }
0x69: {  	_ =	shalt  }
0x6a: {  	_ =	shalt  }
0x6b: {  	_ =	shalt  }
0x6c: {  	_ =	shalt  }
0x6d: {  	_ =	shalt  }
0x6e: {  	_ =	shalt  }
0x6f: {  	_ =	shalt  }
0x70: {  	_ =	shalt  }
0x71: {  	_ =	shalt  }
0x72: {  	_ =	shalt  }
0x73: {  	_ =	shalt  }
0x74: {  	_ =	shalt  }
0x75: {  	_ =	shalt  }
0x76: {  	_ =	shalt  }
0x77: {  	_ =	shalt  }
0x78: {  	_ =	shalt  }
0x79: {  	_ =	shalt  }
0x7a: {  	_ =	shalt  }
0x7b: {  	_ =	shalt  }
0x7c: {  	_ =	shalt  }
0x7d: {  	_ =	shalt  }
0x7e: {  	_ =	shalt  }
0x7f: {  	_ =	shalt  }
0x80: {  	_ =	shalt  }
0x81: {  	_ =	shalt  }
0x82: {  	_ =	shalt  }
0x83: {  	_ =	shalt  }
0x84: {  	_ =	shalt  }
0x85: {  	_ =	shalt  }
0x86: {  	_ =	shalt  }
0x87: {  	_ =	shalt  }
.Lfunc_end0:
.L_simem_size_0:
called_computation.1_lowered:
.L_overlay_start_0:
0x88: {  	s2 =	sld [smem:$0x3FD9]  }
0x89: {  	s3 =	sld [smem:$0x3FFE];
	_ =	sdelay $0x1  }
0x8a: {  	s1 =	srdreg.scid  }
0x8b: {  	s0 =	sand.u32 $0x1, s1  }
0x8c: {  	s17 =	sshll.u32 s0, $0xA;
	s2 =	sadd.s32 s3, s2  }
0x8d: {  	s2 =	sadd.s32 s2, s17  }
0x8e: {  	[smem:$0x3FC6] =	sst s2  }
0x8f: {  	_ = 	snop  }
0x90: {  	s2 =	sld [smem:$0x3FC8]  }
0x91: {  	s18 =	sld [smem:$0x3FD0];
	(tm) =	ssettm $0x1  }
0x92: {  	s4 =	sld [smem:$0x3FFB];
	_ =	sdelay $0x3  }
0x93: {  	_ =	strace s4  }
0x94: {  	s4 =	sld [smem:$0x3FFC];
	_ =	sdelay $0x3  }
0x95: {  	_ =	strace s4  }
0x96: {  	s4 =	sld [smem:$0x3FFD];
	_ =	sdelay $0x3  }
0x97: {  	_ =	strace s4  }
0x98: {  	_ =	strace $0x8FFFFFFF  }
0x99: {  	s19 =	sld [smem:$0x3FDB];
	_ =	sdelay $0x1  }
0x9a: {  	s5 =	simm.s32 $_scs_section_size  }
0x9b: {  	s6 =	simm.s32 $_size__tile_overlayer_lowered;
	s7 =	simm.s32 $_tile_overlayer_lowered  }
0x9c: {  	s22 =	simm.s32 $0x1BFF;
	s21 =	sshll.u32 s7, $0x1;
	s4 =	sadd.s32 s5, s19  }
0x9d: {  	s8 =	simm.s32 $0x0;
	s20 =	sshll.u32 s6, $0x1;
	s6 =	sadd.s32 s21, s4  }
0x9e: {  	[timem:s8], [sflag:s22] =	dma.local [hbm:s6], s20  }
0x9f: {  	_ =	swait.ge [sflag:s22], s20  }
0xa0: {  	s5 =	ssub.s32 $0x0, s20;
	[sflag:s22] =	ssyncset.done $0x0  }
0xa1: {  	[sflag:s22] =	ssyncadd.s32 s5;
	_ =	sdelay $0x1  }
0xa2: {  	s23 =	simm.s32 $0x1B8B  }
0xa3: {  	_ =	swait.ge [sflag:s23], $0x1  }
0xa4: {  	[sflag:s23] =	ssyncset.done $0x0  }
0xa5: {  	s25 =	simm.s32 $0x1B8E;
	s24 =	sld [smem:$0x3FFE];
	[sflag:s23] =	ssyncadd.s32 $0xFFFFFFFF  }
0xa6: {  	s26 =	simm.s32 $execute0_lowered;
	[smem:$0x3FD2] =	sst s25  }
0xa7: {  	s6 =	sshll.u32 s26, $0x1;
	_ =	strace $0x80000049;
	[dreg:$0x1] =	wrdreg $0xFFFFFFFF  }
0xa8: {  	s28 =	simm.s32 $_size_execute0_lowered;
	s4 =	sadd.s32 s4, s6;
	[dreg:$0x0] =	wrdreg $0x0  }
0xa9: {  	s6 =	sshll.u32 s28, $0x1;
	[dreg:$0x2] =	wrdreg s4  }
0xaa: {  	[dreg:$0x3] =	wrdreg s6  }
0xab: {  	[dreg:$0x4] =	wrdreg $0xC0  }
0xac: {  	_ =	task [dreg:s8], $0x5FFFF  }
0xad: {  	[dreg:$0x1] =	wrdreg $0xFFFFFFFF  }
0xae: {  	[dreg:$0x0] =	wrdreg $0x60  }
0xaf: {  	[dreg:$0x2] =	wrdreg s2  }
0xb0: {  	[dreg:$0x3] =	wrdreg s24  }
0xb1: {  	[dreg:$0x4] =	wrdreg s18  }
0xb2: {  	[dreg:$0x5] =	wrdreg $0x9  }
0xb3: {  	_ =	task.clear_ibuf [dreg:s8], $0x6FFFF;
	_ =	strace $0x90000049  }
0xb4: {  	s29 =	simm.s32 $0x9;
	_ =	strace $0x8000004B  }
0xb5: {  	_ =	swait.ge [sflag:s29], $0x1  }
0xb6: {  	[sflag:s29] =	ssyncadd.s32 $0xFFFFFFFF  }
0xb7: {  	_ =	strace $0x9000004B  }
0xb8: {  	_ =	sfence  }
0xb9: {  	s30 =	sld [smem:$0x0];
	_ =	sdelay $0x2  }
0xba: {  	s31 =	sshll.u32 s1, $0xD;
	s1 =	sshrl.u32 s1, $0x2  }
0xbb: {  	s3 =	sand.u32 $0x4000, s31;
	s1 =	sadd.s32 s1, s30  }
0xbc: {  	s0 =	sor.u32 s3, s0;
	s1 =	sshll.u32 s1, $0x11  }
0xbd: {  	s0 =	sor.u32 s1, s0  }
0xbe: {  	s0 =	sadd.s32 $0x8F2B, s0  }
0xbf: {  	[sflag:s0] =	ssyncadd.remote.s32 $0x1  }
0xc0: {  	_ =	sfence.sel $0xFFFF  }
0xc1: {  	[dreg:$0x0] =	wrdreg $0xFFFFFFFF;
	(pc) =	sbr.abs _section_cstart, $3  }
0xc2: {  	[dreg:$0x1] =	wrdreg $0xFFFFFFFF  }
0xc3: {  	_ =	task.clear_ibuf [dreg:s8], $0x2FFFF;
	_ =	strace $0x9FFFFFFF  }
0xc4: {  	(tm) =	ssettm $0x7FFFFFFF  }
0xc5: {  	_ =	shalt  }
tec
execute0_lowered:
.L_overlay_start_1:
0x0: {  	(tag) =	ssettag $0x1  }
0x1: {  	s1 =	rddreg [dreg:$0x0]  }
0x2: {  	s2 =	srdreg.scid;
	s4 =	rddreg [dreg:$0x1]  }
0x3: {  	s0 =	stileid.u32;
	s6 =	rddreg [dreg:$0x2];
	s19 =	simm.s32 $0x900  }
0x4: {  	s20 =	simm.s32 $0x1100;
	s21 =	simm.s32 $0x1900;
	s23 =	simm.s32 $0x2100  }
0x5: {  	s24 =	simm.s32 $0x2900;
	s25 =	simm.s32 $0x3100;
	s26 =	simm.s32 $0x3900  }
0x6: {  	s8 =	simm.s32 $0x4900;
	s9 =	simm.s32 $0x5100;
	s10 =	simm.s32 $0x5900  }
0x7: {  	s11 =	simm.s32 $0x6100;
	s12 =	simm.s32 $0x6900;
	s2 =	sand.u32 $0x1, s2  }
0x8: {  	s13 =	simm.s32 $0x7100;
	s3 =	sshll.u32 s0, $0x9;
	s5 =	sshll.u32 s2, $0x8  }
0x9: {  	s14 =	simm.s32 $0x7900;
	s5 =	sor.u32 s5, s3;
	s3 =	simm.s32 $0x0  }
0xa: {  	s15 =	simm.s32 $0x8100;
	s16 =	simm.s32 $0x8900;
	[smem:$0x7FF] =	sst s3  }
0xb: {  	s28 =	simm.s32 $0xE100;
	_ =	strace $0x8000004A;
	[dreg:$0x7] =	wrdreg s19  }
0xc: {  	s29 =	simm.s32 $0xE900;
	s30 =	simm.s32 $0xF100;
	[dreg:$0x8] =	wrdreg s20  }
0xd: {  	s31 =	simm.s32 $0xF900;
	s2 =	ssub.s32 $0x2, s2;
	[dreg:$0x9] =	wrdreg s21  }
0xe: {  	s22 =	sshrl.u32 s2, $0x1;
	s7 =	sshrl.u32 s5, $0x3;
	[dreg:$0xa] =	wrdreg s23  }
0xf: {  	s5 =	sshll.u32 s5, $0x5;
	s2 =	ssub.s32 s2, s22;
	[dreg:$0xb] =	wrdreg s24  }
0x10: {  	s22 =	simm.s32 $0xB900;
	s4 =	sadd.s32 s7, s4;
	[dreg:$0xc] =	wrdreg s25  }
0x11: {  	s5 =	sadd.s32 s5, s6;
	s6 =	simm.s32 $0x100;
	[dreg:$0xd] =	wrdreg s26  }
0x12: {  	s19 =	simm.s32 $0xA100;
	s20 =	simm.s32 $0xA900;
	s21 =	simm.s32 $0xB100  }
0x13: {  	s23 =	simm.s32 $0xC100;
	s24 =	simm.s32 $0xC900;
	s4 =	sadd.s32 $0x1C00, s4  }
0x14: {  	s25 =	simm.s32 $0xD100;
	s17 =	sadd.s32 $0x40000, s5;
	[dreg:$0x4] =	wrdreg s4  }
0x15: {  	v2 =	vlaneseq.u32;
	s26 =	simm.s32 $0xD900;
	s18 =	sadd.s32 $0x41000, s5;
	[dreg:$0x5] =	wrdreg s17  }
0x16: {  	vm0 =	vmmov $0xffff;
	v1 =	vshrl.u32 v2, $0x3;
	s5 =	simm.s32 $0x2;
	[dreg:$0x6] =	wrdreg s18;
	s4 =	smax.u32 s2, $0x1  }
0x17: {  	v0 =	vand.u32 $0x7, v2;
	v2 =	vor.u32 $0x8, v2;
	v1 =	vmul.u32 $0x8, v1;
	s17 =	simm.s32 $0x9100;
	s18 =	simm.s32 $0x9900;
	s2 =	simm.s32 $0x1  }
.LBB2_1:
0x18: {  	s0 =	rddreg [dreg:$0x4]  }
0x19: {  	[tilespmem:s3], [sflag:$0x2] =	stream.linear.gather [hbm4b:s0+s3], $0x100, $0x38;
	[tilespmem:$0x10100] =	vst v63  }
0x1a: {  	_ =	swait.ge [sflag:s5], $0x100  }
0x1b: {  	[sflag:s5] =	ssyncset.done $0x0  }
0x1c: {  	[sflag:s5] =	ssyncadd.s32 $0xFFFFFF00  }
0x1d: {  	v3 =	vld [tilespmem:$0x0];
	_ =	sdelay $0x4  }
0x1e: {  	v4 =	vshll.u32 v3, $0x1  }
0x1f: {  	v3 =	vand.u32 $0x7, v3;
	v4 =	vand.u32 $0xFFFFFFF0, v4  }
0x20: {  	v3 =	vor.u32 v3, v4  }
0x21: {  	v4 =	vperm.xlane v3, v0;
	_ =	sdelay $0x1  }
0x22: {  	v3 =	vperm.xlane v3, v2;
	v4 =	vadd.s32 v1, v4;
	_ =	sdelay $0x1  }
0x23: {  	v3 =	vadd.s32 v1, v3;
	_ =	sdelay $0x2  }
0x24: {  	[tilespmem:s6], [sflag:$0x1] =	stream.indirect_vreg.gather [hbm4b:s1+s3], $0x80, v4, vm0, $0xb8;
	[tilespmem:$0x10100] =	vst v63  }
0x25: {  	s7 =	rddreg [dreg:$0x7]  }
0x26: {  	[tilespmem:s7], [sflag:$0x1] =	stream.indirect_vreg.gather [hbm4b:s1+s3], $0x80, v3, vm0, $0xb8;
	[tilespmem:$0x10100] =	vst v63  }
0x27: {  	v3 =	vld [tilespmem:$0x10];
	_ =	sdelay $0x4  }
0x28: {  	v49 =	vshll.u32 v3, $0x1  }
0x29: {  	v3 =	vand.u32 $0x7, v3;
	v4 =	vand.u32 $0xFFFFFFF0, v49  }
0x2a: {  	v3 =	vor.u32 v3, v4  }
0x2b: {  	v4 =	vperm.xlane v3, v0;
	_ =	sdelay $0x1  }
0x2c: {  	v3 =	vperm.xlane v3, v2;
	v4 =	vadd.s32 v1, v4;
	_ =	sdelay $0x1  }
0x2d: {  	v3 =	vadd.s32 v1, v3;
	_ =	sdelay $0x1  }
0x2e: {  	s0 =	rddreg [dreg:$0x8]  }
0x2f: {  	[tilespmem:s0], [sflag:$0x1] =	stream.indirect_vreg.gather [hbm4b:s1+s3], $0x80, v4, vm0, $0xb8;
	[tilespmem:$0x10100] =	vst v63  }
0x30: {  	s7 =	rddreg [dreg:$0x9]  }
0x31: {  	[tilespmem:s7], [sflag:$0x1] =	stream.indirect_vreg.gather [hbm4b:s1+s3], $0x80, v3, vm0, $0xb8;
	[tilespmem:$0x10100] =	vst v63  }
0x32: {  	v3 =	vld [tilespmem:$0x20];
	_ =	sdelay $0x4  }
0x33: {  	v50 =	vshll.u32 v3, $0x1  }
0x34: {  	v3 =	vand.u32 $0x7, v3;
	v4 =	vand.u32 $0xFFFFFFF0, v50  }
0x35: {  	v3 =	vor.u32 v3, v4  }
0x36: {  	v4 =	vperm.xlane v3, v0;
	_ =	sdelay $0x1  }
0x37: {  	v3 =	vperm.xlane v3, v2;
	v4 =	vadd.s32 v1, v4;
	_ =	sdelay $0x1  }
0x38: {  	v3 =	vadd.s32 v1, v3;
	_ =	sdelay $0x1  }
0x39: {  	s0 =	rddreg [dreg:$0xa]  }
0x3a: {  	[tilespmem:s0], [sflag:$0x1] =	stream.indirect_vreg.gather [hbm4b:s1+s3], $0x80, v4, vm0, $0xb8;
	[tilespmem:$0x10100] =	vst v63  }
0x3b: {  	s7 =	rddreg [dreg:$0xb]  }
0x3c: {  	[tilespmem:s7], [sflag:$0x1] =	stream.indirect_vreg.gather [hbm4b:s1+s3], $0x80, v3, vm0, $0xb8;
	[tilespmem:$0x10100] =	vst v63  }
0x3d: {  	v3 =	vld [tilespmem:$0x30];
	_ =	sdelay $0x4  }
0x3e: {  	v51 =	vshll.u32 v3, $0x1  }
0x3f: {  	v3 =	vand.u32 $0x7, v3;
	v4 =	vand.u32 $0xFFFFFFF0, v51  }
0x40: {  	v3 =	vor.u32 v3, v4  }
0x41: {  	v4 =	vperm.xlane v3, v0;
	_ =	sdelay $0x1  }
0x42: {  	v3 =	vperm.xlane v3, v2;
	v4 =	vadd.s32 v1, v4;
	_ =	sdelay $0x1  }
0x43: {  	v3 =	vadd.s32 v1, v3;
	_ =	sdelay $0x1  }
0x44: {  	s0 =	rddreg [dreg:$0xc]  }
0x45: {  	[tilespmem:s0], [sflag:$0x1] =	stream.indirect_vreg.gather [hbm4b:s1+s3], $0x80, v4, vm0, $0xb8;
	[tilespmem:$0x10100] =	vst v63  }
0x46: {  	s7 =	rddreg [dreg:$0xd]  }
0x47: {  	[tilespmem:s7], [sflag:$0x1] =	stream.indirect_vreg.gather [hbm4b:s1+s3], $0x80, v3, vm0, $0xb8;
	[tilespmem:$0x10100] =	vst v63  }
0x48: {  	v3 =	vld [tilespmem:$0x40];
	_ =	sdelay $0x4  }
0x49: {  	v52 =	vshll.u32 v3, $0x1  }
0x4a: {  	v3 =	vand.u32 $0x7, v3;
	v4 =	vand.u32 $0xFFFFFFF0, v52  }
0x4b: {  	v3 =	vor.u32 v3, v4  }
0x4c: {  	v4 =	vperm.xlane v3, v0;
	_ =	sdelay $0x1  }
0x4d: {  	v3 =	vperm.xlane v3, v2;
	v4 =	vadd.s32 v1, v4;
	_ =	sdelay $0x1  }
0x4e: {  	v3 =	vadd.s32 v1, v3;
	_ =	sdelay $0x1  }
0x4f: {  	s7 =	simm.s32 $0x4100  }
0x50: {  	[tilespmem:s7], [sflag:$0x1] =	stream.indirect_vreg.gather [hbm4b:s1+s3], $0x80, v4, vm0, $0xb8;
	[tilespmem:$0x10100] =	vst v63  }
0x51: {  	_ = 	snop  }
0x52: {  	[tilespmem:s8], [sflag:$0x1] =	stream.indirect_vreg.gather [hbm4b:s1+s3], $0x80, v3, vm0, $0xb8;
	[tilespmem:$0x10100] =	vst v63  }
0x53: {  	v3 =	vld [tilespmem:$0x50];
	_ =	sdelay $0x4  }
0x54: {  	v53 =	vshll.u32 v3, $0x1  }
0x55: {  	v3 =	vand.u32 $0x7, v3;
	v4 =	vand.u32 $0xFFFFFFF0, v53  }
0x56: {  	v3 =	vor.u32 v3, v4  }
0x57: {  	v4 =	vperm.xlane v3, v0;
	_ =	sdelay $0x1  }
0x58: {  	v3 =	vperm.xlane v3, v2;
	v4 =	vadd.s32 v1, v4;
	_ =	sdelay $0x1  }
0x59: {  	v3 =	vadd.s32 v1, v3;
	_ =	sdelay $0x2  }
0x5a: {  	[tilespmem:s9], [sflag:$0x1] =	stream.indirect_vreg.gather [hbm4b:s1+s3], $0x80, v4, vm0, $0xb8;
	[tilespmem:$0x10100] =	vst v63  }
0x5b: {  	_ = 	snop  }
0x5c: {  	[tilespmem:s10], [sflag:$0x1] =	stream.indirect_vreg.gather [hbm4b:s1+s3], $0x80, v3, vm0, $0xb8;
	[tilespmem:$0x10100] =	vst v63  }
0x5d: {  	v3 =	vld [tilespmem:$0x60];
	_ =	sdelay $0x4  }
0x5e: {  	v54 =	vshll.u32 v3, $0x1  }
0x5f: {  	v3 =	vand.u32 $0x7, v3;
	v4 =	vand.u32 $0xFFFFFFF0, v54  }
0x60: {  	v3 =	vor.u32 v3, v4  }
0x61: {  	v4 =	vperm.xlane v3, v0;
	_ =	sdelay $0x1  }
0x62: {  	v3 =	vperm.xlane v3, v2;
	v4 =	vadd.s32 v1, v4;
	_ =	sdelay $0x1  }
0x63: {  	v3 =	vadd.s32 v1, v3;
	_ =	sdelay $0x2  }
0x64: {  	[tilespmem:s11], [sflag:$0x1] =	stream.indirect_vreg.gather [hbm4b:s1+s3], $0x80, v4, vm0, $0xb8;
	[tilespmem:$0x10100] =	vst v63  }
0x65: {  	_ = 	snop  }
0x66: {  	[tilespmem:s12], [sflag:$0x1] =	stream.indirect_vreg.gather [hbm4b:s1+s3], $0x80, v3, vm0, $0xb8;
	[tilespmem:$0x10100] =	vst v63  }
0x67: {  	v3 =	vld [tilespmem:$0x70];
	_ =	sdelay $0x4  }
0x68: {  	v55 =	vshll.u32 v3, $0x1  }
0x69: {  	v3 =	vand.u32 $0x7, v3;
	v4 =	vand.u32 $0xFFFFFFF0, v55  }
0x6a: {  	v3 =	vor.u32 v3, v4  }
0x6b: {  	v4 =	vperm.xlane v3, v0;
	_ =	sdelay $0x1  }
0x6c: {  	v3 =	vperm.xlane v3, v2;
	v4 =	vadd.s32 v1, v4;
	_ =	sdelay $0x1  }
0x6d: {  	v3 =	vadd.s32 v1, v3;
	_ =	sdelay $0x2  }
0x6e: {  	[tilespmem:s13], [sflag:$0x1] =	stream.indirect_vreg.gather [hbm4b:s1+s3], $0x80, v4, vm0, $0xb8;
	[tilespmem:$0x10100] =	vst v63  }
0x6f: {  	_ = 	snop  }
0x70: {  	[tilespmem:s14], [sflag:$0x1] =	stream.indirect_vreg.gather [hbm4b:s1+s3], $0x80, v3, vm0, $0xb8;
	[tilespmem:$0x10100] =	vst v63  }
0x71: {  	v3 =	vld [tilespmem:$0x80];
	_ =	sdelay $0x4  }
0x72: {  	v56 =	vshll.u32 v3, $0x1  }
0x73: {  	v3 =	vand.u32 $0x7, v3;
	v4 =	vand.u32 $0xFFFFFFF0, v56  }
0x74: {  	v3 =	vor.u32 v3, v4  }
0x75: {  	v4 =	vperm.xlane v3, v0;
	_ =	sdelay $0x1  }
0x76: {  	v3 =	vperm.xlane v3, v2;
	v4 =	vadd.s32 v1, v4;
	_ =	sdelay $0x1  }
0x77: {  	v3 =	vadd.s32 v1, v3;
	_ =	sdelay $0x2  }
0x78: {  	[tilespmem:s15], [sflag:$0x1] =	stream.indirect_vreg.gather [hbm4b:s1+s3], $0x80, v4, vm0, $0xb8;
	[tilespmem:$0x10100] =	vst v63  }
0x79: {  	_ = 	snop  }
0x7a: {  	[tilespmem:s16], [sflag:$0x1] =	stream.indirect_vreg.gather [hbm4b:s1+s3], $0x80, v3, vm0, $0xb8;
	[tilespmem:$0x10100] =	vst v63  }
0x7b: {  	v3 =	vld [tilespmem:$0x90];
	_ =	sdelay $0x4  }
0x7c: {  	v57 =	vshll.u32 v3, $0x1  }
0x7d: {  	v3 =	vand.u32 $0x7, v3;
	v4 =	vand.u32 $0xFFFFFFF0, v57  }
0x7e: {  	v3 =	vor.u32 v3, v4  }
0x7f: {  	v4 =	vperm.xlane v3, v0;
	_ =	sdelay $0x1  }
0x80: {  	v3 =	vperm.xlane v3, v2;
	v4 =	vadd.s32 v1, v4;
	_ =	sdelay $0x1  }
0x81: {  	v3 =	vadd.s32 v1, v3;
	_ =	sdelay $0x2  }
0x82: {  	[tilespmem:s17], [sflag:$0x1] =	stream.indirect_vreg.gather [hbm4b:s1+s3], $0x80, v4, vm0, $0xb8;
	[tilespmem:$0x10100] =	vst v63  }
0x83: {  	_ = 	snop  }
0x84: {  	[tilespmem:s18], [sflag:$0x1] =	stream.indirect_vreg.gather [hbm4b:s1+s3], $0x80, v3, vm0, $0xb8;
	[tilespmem:$0x10100] =	vst v63  }
0x85: {  	v3 =	vld [tilespmem:$0xA0];
	_ =	sdelay $0x4  }
0x86: {  	v58 =	vshll.u32 v3, $0x1  }
0x87: {  	v3 =	vand.u32 $0x7, v3;
	v4 =	vand.u32 $0xFFFFFFF0, v58  }
0x88: {  	v3 =	vor.u32 v3, v4  }
0x89: {  	v4 =	vperm.xlane v3, v0;
	_ =	sdelay $0x1  }
0x8a: {  	v3 =	vperm.xlane v3, v2;
	v4 =	vadd.s32 v1, v4;
	_ =	sdelay $0x1  }
0x8b: {  	v3 =	vadd.s32 v1, v3;
	_ =	sdelay $0x2  }
0x8c: {  	[tilespmem:s19], [sflag:$0x1] =	stream.indirect_vreg.gather [hbm4b:s1+s3], $0x80, v4, vm0, $0xb8;
	[tilespmem:$0x10100] =	vst v63  }
0x8d: {  	_ = 	snop  }
0x8e: {  	[tilespmem:s20], [sflag:$0x1] =	stream.indirect_vreg.gather [hbm4b:s1+s3], $0x80, v3, vm0, $0xb8;
	[tilespmem:$0x10100] =	vst v63  }
0x8f: {  	v3 =	vld [tilespmem:$0xB0];
	_ =	sdelay $0x4  }
0x90: {  	v59 =	vshll.u32 v3, $0x1  }
0x91: {  	v3 =	vand.u32 $0x7, v3;
	v4 =	vand.u32 $0xFFFFFFF0, v59  }
0x92: {  	v3 =	vor.u32 v3, v4  }
0x93: {  	v4 =	vperm.xlane v3, v0;
	_ =	sdelay $0x1  }
0x94: {  	v3 =	vperm.xlane v3, v2;
	v4 =	vadd.s32 v1, v4;
	_ =	sdelay $0x1  }
0x95: {  	v3 =	vadd.s32 v1, v3;
	_ =	sdelay $0x2  }
0x96: {  	[tilespmem:s21], [sflag:$0x1] =	stream.indirect_vreg.gather [hbm4b:s1+s3], $0x80, v4, vm0, $0xb8;
	[tilespmem:$0x10100] =	vst v63  }
0x97: {  	_ = 	snop  }
0x98: {  	[tilespmem:s22], [sflag:$0x1] =	stream.indirect_vreg.gather [hbm4b:s1+s3], $0x80, v3, vm0, $0xb8;
	[tilespmem:$0x10100] =	vst v63  }
0x99: {  	v3 =	vld [tilespmem:$0xC0];
	_ =	sdelay $0x4  }
0x9a: {  	v60 =	vshll.u32 v3, $0x1  }
0x9b: {  	v3 =	vand.u32 $0x7, v3;
	v4 =	vand.u32 $0xFFFFFFF0, v60  }
0x9c: {  	v3 =	vor.u32 v3, v4  }
0x9d: {  	v4 =	vperm.xlane v3, v0;
	_ =	sdelay $0x1  }
0x9e: {  	v3 =	vperm.xlane v3, v2;
	v4 =	vadd.s32 v1, v4;
	_ =	sdelay $0x1  }
0x9f: {  	v3 =	vadd.s32 v1, v3;
	_ =	sdelay $0x2  }
0xa0: {  	[tilespmem:s23], [sflag:$0x1] =	stream.indirect_vreg.gather [hbm4b:s1+s3], $0x80, v4, vm0, $0xb8;
	[tilespmem:$0x10100] =	vst v63  }
0xa1: {  	_ = 	snop  }
0xa2: {  	[tilespmem:s24], [sflag:$0x1] =	stream.indirect_vreg.gather [hbm4b:s1+s3], $0x80, v3, vm0, $0xb8;
	[tilespmem:$0x10100] =	vst v63  }
0xa3: {  	v3 =	vld [tilespmem:$0xD0];
	_ =	sdelay $0x4  }
0xa4: {  	v61 =	vshll.u32 v3, $0x1  }
0xa5: {  	v3 =	vand.u32 $0x7, v3;
	v4 =	vand.u32 $0xFFFFFFF0, v61  }
0xa6: {  	v3 =	vor.u32 v3, v4  }
0xa7: {  	v4 =	vperm.xlane v3, v0;
	_ =	sdelay $0x1  }
0xa8: {  	v3 =	vperm.xlane v3, v2;
	v4 =	vadd.s32 v1, v4;
	_ =	sdelay $0x1  }
0xa9: {  	v3 =	vadd.s32 v1, v3;
	_ =	sdelay $0x2  }
0xaa: {  	[tilespmem:s25], [sflag:$0x1] =	stream.indirect_vreg.gather [hbm4b:s1+s3], $0x80, v4, vm0, $0xb8;
	[tilespmem:$0x10100] =	vst v63  }
0xab: {  	_ = 	snop  }
0xac: {  	[tilespmem:s26], [sflag:$0x1] =	stream.indirect_vreg.gather [hbm4b:s1+s3], $0x80, v3, vm0, $0xb8;
	[tilespmem:$0x10100] =	vst v63  }
0xad: {  	v3 =	vld [tilespmem:$0xE0];
	_ =	sdelay $0x4  }
0xae: {  	v62 =	vshll.u32 v3, $0x1  }
0xaf: {  	v3 =	vand.u32 $0x7, v3;
	v4 =	vand.u32 $0xFFFFFFF0, v62  }
0xb0: {  	v3 =	vor.u32 v3, v4  }
0xb1: {  	v4 =	vperm.xlane v3, v0;
	_ =	sdelay $0x1  }
0xb2: {  	v3 =	vperm.xlane v3, v2;
	v4 =	vadd.s32 v1, v4;
	_ =	sdelay $0x1  }
0xb3: {  	v3 =	vadd.s32 v1, v3;
	_ =	sdelay $0x2  }
0xb4: {  	[tilespmem:s28], [sflag:$0x1] =	stream.indirect_vreg.gather [hbm4b:s1+s3], $0x80, v4, vm0, $0xb8;
	[tilespmem:$0x10100] =	vst v63  }
0xb5: {  	_ = 	snop  }
0xb6: {  	[tilespmem:s29], [sflag:$0x1] =	stream.indirect_vreg.gather [hbm4b:s1+s3], $0x80, v3, vm0, $0xb8;
	[tilespmem:$0x10100] =	vst v63  }
0xb7: {  	v3 =	vld [tilespmem:$0xF0];
	_ =	sdelay $0x4  }
0xb8: {  	v63 =	vshll.u32 v3, $0x1  }
0xb9: {  	v3 =	vand.u32 $0x7, v3;
	v4 =	vand.u32 $0xFFFFFFF0, v63  }
0xba: {  	v3 =	vor.u32 v3, v4  }
0xbb: {  	v4 =	vperm.xlane v3, v0;
	_ =	sdelay $0x1  }
0xbc: {  	v3 =	vperm.xlane v3, v2;
	v4 =	vadd.s32 v1, v4;
	_ =	sdelay $0x1  }
0xbd: {  	v3 =	vadd.s32 v1, v3;
	_ =	sdelay $0x2  }
0xbe: {  	[tilespmem:s30], [sflag:$0x1] =	stream.indirect_vreg.gather [hbm4b:s1+s3], $0x80, v4, vm0, $0xb8;
	[tilespmem:$0x10100] =	vst v63  }
0xbf: {  	_ = 	snop  }
0xc0: {  	[tilespmem:s31], [sflag:$0x1] =	stream.indirect_vreg.gather [hbm4b:s1+s3], $0x80, v3, vm0, $0xb8;
	[tilespmem:$0x10100] =	vst v63  }
0xc1: {  	_ =	swait.ge [sflag:s2], $0x8000  }
0xc2: {  	[sflag:s2] =	ssyncset.done $0x0  }
0xc3: {  	s7 =	rddreg [dreg:$0x5];
	[sflag:s2] =	ssyncadd.s32 $0xFFFF8000  }
0xc4: {  	[hbm4b:s7+s3] =	stream.linear.scatter [tilespmem:s6], [sflag:$0x2], $0x8000, $0x38;
	[tilespmem:$0x10100] =	vst v63  }
0xc5: {  	_ =	swait.ge [sflag:s5], $0x8000  }
0xc6: {  	[sflag:s5] =	ssyncset.done $0x0  }
0xc7: {  	[sflag:s5] =	ssyncadd.s32 $0xFFFF8000  }
0xc8: {  	_ =	swait.ge [sflag:s2], $0x8000  }
0xc9: {  	p0 =	sne.s32 s4, $0x1;
	[sflag:s2] =	ssyncset.done $0x0  }
.Ltmp0:
0xca: {  	s7 =	rddreg [dreg:$0x6];
	[sflag:s2] =	ssyncadd.s32 $0xFFFF8000;
	(pc) =	sbr.rel @p0 .LBB2_1-.Ltmp0, $4  }
0xcb: {  	[hbm4b:s7+s3] =	stream.linear.scatter [tilespmem:s15], [sflag:$0x2], $0x8000, $0x38;
	[tilespmem:$0x10100] =	vst v63  }
0xcc: {  	_ =	swait.ge [sflag:s5], $0x8000  }
0xcd: {  	[sflag:s5] =	ssyncset.done $0x0  }
0xce: {  	s4 =	sadd.s32 $0xFFFFFFFF, s4;
	[sflag:s5] =	ssyncadd.s32 $0xFFFF8000  }
0xcf: {  	_ =	sfence.sel $0x180000  }
0xd0: {  	[bflag:$0x0] =	sbarrier.arrive $0xFFFF  }
0xd1: {  	_ =	strace $0x9000004A  }
0xd2: {  	s0 =	stileid.u32;
	[bflag:$0x2] =	sbarrier.arrive $0xFFFF  }
0xd3: {  	p0 =	sne.s32 s0, $0x0;
	s0 =	rddreg [dreg:$0x3]  }
0xd4: {  	s0 =	sadd.s32 @!p0 $0x100000, s0  }
0xd5: {  	[sflag:s0] =	ssyncadd.tile.s32 @!p0 $0x1;
	_ =	shalt  }
.Lfunc_end2:
_tile_overlayer_lowered:
.L_overlay_start_2:
0xd6: {  	(tag) =	ssettag $0x2  }
0xd7: {  	s0 =	rddreg [dreg:$0x0];
	s2 =	stileid.u32  }
0xd8: {  	s1 =	rddreg [dreg:$0x1];
	p0 =	sne.s32 s2, $0x0  }
0xd9: {  	s3 =	rddreg [dreg:$0x2];
	[bflag:$0x3] =	sbarrier.arrive $0xFFFF;
	s2 =	simm.s32 @!p0 $0x1C02  }
0xda: {  	[timem:s3], [sflag:s2] =	dma.local @!p0 [hbm:s0], s1  }
0xdb: {  	s0 =	simm.s32 @!p0 $0x2  }
0xdc: {  	_ =	swait.ge @!p0 [sflag:s0], s1  }
0xdd: {  	s1 =	ssub.s32 @!p0 $0x0, s1;
	[sflag:s0] =	ssyncset.done @!p0 $0x0  }
0xde: {  	[sflag:s0] =	ssyncadd.s32 @!p0 s1  }
0xdf: {  	[bflag:$0x3] =	sbarrier.arrive $0xFFFF  }
0xe0: {  	_ =	shalt  }

// kernel: kernel.16.cloned.1.call-start
scs
__scs_entry_jumppad:
0x0: {  	(pc) =	sbr.rel $0x88, $3  }
0x1: {  	(tag) =	ssettag $0x0;
	lr =	simm.s32 $0x1  }
0x2: {  	[smem:$0x3F9F] =	sst lr;
	_ =	strace $0xD0000000  }
0x3: {  	_ = 	snop  }
0x4: {  	_ = 	snop  }
0x5: {  	_ = 	snop  }
0x6: {  	_ = 	snop  }
0x7: {  	_ = 	snop  }
__scs_overlays_trampoline_lowered:
0x8: {  	[smem:$0x3FAE] =	sst s0  }
0x9: {  	[smem:$0x3FAF] =	sst s1  }
0xa: {  	[smem:$0x3FB0] =	sst s2  }
0xb: {  	[smem:$0x3FB1] =	sst s3  }
0xc: {  	[smem:$0x3FB2] =	sst s4  }
0xd: {  	[smem:$0x3FB3] =	sst s5  }
0xe: {  	[smem:$0x3FB4] =	sst s6  }
0xf: {  	[smem:$0x3FB5] =	sst s7  }
0x10: {  	[smem:$0x3FB6] =	sst s8  }
0x11: {  	[smem:$0x3FB7] =	sst s9;
	s0 =	simm.s32 @!p0 $0x0  }
0x12: {  	s1 =	sld [smem:$0x3F9D];
	s0 =	simm.s32 @p0 $0x1  }
0x13: {  	[smem:$0x3FB8] =	sst s0;
	s0 =	simm.s32 @!p1 $0x0  }
0x14: {  	s2 =	sld [smem:$0x3F9C];
	s0 =	simm.s32 @p1 $0x1  }
0x15: {  	[smem:$0x3FB9] =	sst s0;
	s0 =	simm.s32 @!p2 $0x0  }
0x16: {  	s3 =	sld [smem:$0x3FDB];
	s0 =	simm.s32 @p2 $0x1  }
0x17: {  	s4 =	simm.s32 $0x1BF5;
	[smem:$0x3FBB] =	sst s0  }
0x18: {  	s0 =	sld [smem:$0x3F9E];
	_ =	swait.ge [sflag:s4], $0x0  }
0x19: {  	s7 =	sld [smem:$0x3F9F]  }
0x1a: {  	s8 =	sadd.s32 $0xFFFFE003, lr  }
0x1b: {  	s9 =	sadd.s32 $0xFFFFFEF7, lr;
	s5 =	simm.s32 $0xFFFFFFFF;
	p2 =	slt.u32 s8, $0xFFFFF086  }
0x1c: {  	p1 =	slt.u32 s9, $0xF7A;
	s5 =	simm.s32 @!p2 $0x0  }
0x1d: {  	s5 =	simm.s32 @p1 $0x1;
	p0 =	seq.s32 s7, s2  }
0x1e: {  	s7 =	smul.u32 @!p0 $0xF7A, s2;
	p2 =	seq.s32 @!p0 s5, $0x0  }
0x1f: {  	s9 =	smul.u32 $0xF7A, s1;
	s8 =	simm.s32 @!p0 $0x1BF5;
	p2 =	por !p2, p0  }
0x20: {  	[sflag:s8] =	ssyncset.s32 @!p0 $0xFFFFF086;
	s6 =	sadd.s32 @!p0 s3, s7;
	s7 =	simm.s32 @!p0 $0x108  }
0x21: {  	s3 =	sadd.s32 s3, s9;
	s6 =	sadd.s32 @!p0 $0x88, s6;
	s7 =	simm.s32 @p2 $0x1082  }
0x22: {  	[simem:s7], [sflag:s8] =	dma.local @!p0 [hbm:s6], $0xF7A  }
0x23: {  	s9 =	sor.u32 $0xD0000000, s2;
	s6 =	simm.s32 $0x108;
	_ =	swait.ge @!p0 [sflag:s8], $0x0  }
0x24: {  	s3 =	sadd.s32 $0x88, s3;
	s6 =	simm.s32 @!p1 $0x1082;
	[sflag:s4] =	ssyncset.s32 $0xFFFFF086  }
0x25: {  	[simem:s6], [sflag:s4] =	dma.local [hbm:s3], $0xF7A  }
0x26: {  	[smem:$0x3F9F] =	sst s1;
	(tag) =	ssettag s2;
	_ =	strace s9  }
0x27: {  	s1 =	sld [smem:$0x3FAF]  }
0x28: {  	s2 =	sld [smem:$0x3FB0]  }
0x29: {  	s4 =	sld [smem:$0x3FB2]  }
0x2a: {  	p0 =	seq.s32 s5, $0x0;
	s5 =	sld [smem:$0x3FB3]  }
0x2b: {  	s6 =	sld [smem:$0x3FB4]  }
0x2c: {  	s7 =	sld [smem:$0x3FB5]  }
0x2d: {  	s3 =	simm.s32 $0x108;
	s8 =	sld [smem:$0x3FB6]  }
0x2e: {  	s3 =	simm.s32 @!p0 $0x1082;
	s9 =	sld [smem:$0x3FB7]  }
0x2f: {  	lr =	sadd.s32 s0, s3;
	s0 =	sld [smem:$0x3FAE]  }
0x30: {  	s3 =	sld [smem:$0x3FB1]  }
0x31: {  	[smem:$0x3FBA] =	sst s10  }
0x32: {  	s10 =	sld [smem:$0x3FB8];
	_ =	sdelay $0x3  }
0x33: {  	p0 =	seq.s32 s10, $0x1;
	s10 =	sld [smem:$0x3FBA];
	_ =	sdelay $0x3  }
0x34: {  	[smem:$0x3FBA] =	sst s10  }
0x35: {  	s10 =	sld [smem:$0x3FB9];
	_ =	sdelay $0x3  }
0x36: {  	p1 =	seq.s32 s10, $0x1;
	s10 =	sld [smem:$0x3FBA];
	_ =	sdelay $0x3  }
0x37: {  	[smem:$0x3FBA] =	sst s10  }
0x38: {  	s10 =	sld [smem:$0x3FBB]  }
0x39: {  	_ = 	snop;
	(pc) =	sbr.ind lr, $3  }
0x3a: {  	_ = 	snop  }
0x3b: {  	_ = 	snop  }
0x3c: {  	p2 =	seq.s32 s10, $0x1;
	s10 =	sld [smem:$0x3FBA]  }
0x3d: {  	_ =	shalt  }
0x3e: {  	_ =	shalt  }
0x3f: {  	_ =	shalt  }
0x40: {  	_ =	shalt  }
0x41: {  	_ =	shalt  }
0x42: {  	_ =	shalt  }
0x43: {  	_ =	shalt  }
0x44: {  	_ =	shalt  }
0x45: {  	_ =	shalt  }
0x46: {  	_ =	shalt  }
0x47: {  	_ =	shalt  }
0x48: {  	_ =	shalt  }
0x49: {  	_ =	shalt  }
0x4a: {  	_ =	shalt  }
0x4b: {  	_ =	shalt  }
0x4c: {  	_ =	shalt  }
0x4d: {  	_ =	shalt  }
0x4e: {  	_ =	shalt  }
0x4f: {  	_ =	shalt  }
0x50: {  	_ =	shalt  }
0x51: {  	_ =	shalt  }
0x52: {  	_ =	shalt  }
0x53: {  	_ =	shalt  }
0x54: {  	_ =	shalt  }
0x55: {  	_ =	shalt  }
0x56: {  	_ =	shalt  }
0x57: {  	_ =	shalt  }
0x58: {  	_ =	shalt  }
0x59: {  	_ =	shalt  }
0x5a: {  	_ =	shalt  }
0x5b: {  	_ =	shalt  }
0x5c: {  	_ =	shalt  }
0x5d: {  	_ =	shalt  }
0x5e: {  	_ =	shalt  }
0x5f: {  	_ =	shalt  }
0x60: {  	_ =	shalt  }
0x61: {  	_ =	shalt  }
0x62: {  	_ =	shalt  }
0x63: {  	_ =	shalt  }
0x64: {  	_ =	shalt  }
0x65: {  	_ =	shalt  }
0x66: {  	_ =	shalt  }
0x67: {  	_ =	shalt  }
0x68: {  	_ =	shalt  }
0x69: {  	_ =	shalt  }
0x6a: {  	_ =	shalt  }
0x6b: {  	_ =	shalt  }
0x6c: {  	_ =	shalt  }
0x6d: {  	_ =	shalt  }
0x6e: {  	_ =	shalt  }
0x6f: {  	_ =	shalt  }
0x70: {  	_ =	shalt  }
0x71: {  	_ =	shalt  }
0x72: {  	_ =	shalt  }
0x73: {  	_ =	shalt  }
0x74: {  	_ =	shalt  }
0x75: {  	_ =	shalt  }
0x76: {  	_ =	shalt  }
0x77: {  	_ =	shalt  }
0x78: {  	_ =	shalt  }
0x79: {  	_ =	shalt  }
0x7a: {  	_ =	shalt  }
0x7b: {  	_ =	shalt  }
0x7c: {  	_ =	shalt  }
0x7d: {  	_ =	shalt  }
0x7e: {  	_ =	shalt  }
0x7f: {  	_ =	shalt  }
0x80: {  	_ =	shalt  }
0x81: {  	_ =	shalt  }
0x82: {  	_ =	shalt  }
0x83: {  	_ =	shalt  }
0x84: {  	_ =	shalt  }
0x85: {  	_ =	shalt  }
0x86: {  	_ =	shalt  }
0x87: {  	_ =	shalt  }
.Lfunc_end0:
.L_simem_size_0:
called_computation.2_lowered:
.L_overlay_start_0:
0x88: {  	s2 =	sld [smem:$0x3FD9]  }
0x89: {  	s3 =	sld [smem:$0x3FFE];
	_ =	sdelay $0x1  }
0x8a: {  	s1 =	srdreg.scid  }
0x8b: {  	s0 =	sand.u32 $0x1, s1  }
0x8c: {  	s17 =	sshll.u32 s0, $0xA;
	s2 =	sadd.s32 s3, s2  }
0x8d: {  	s2 =	sadd.s32 s2, s17  }
0x8e: {  	[smem:$0x3FC6] =	sst s2  }
0x8f: {  	_ = 	snop  }
0x90: {  	s2 =	sld [smem:$0x3FC8]  }
0x91: {  	s18 =	sld [smem:$0x3FD0];
	(tm) =	ssettm $0x1  }
0x92: {  	s4 =	sld [smem:$0x3FFB];
	_ =	sdelay $0x3  }
0x93: {  	_ =	strace s4  }
0x94: {  	s4 =	sld [smem:$0x3FFC];
	_ =	sdelay $0x3  }
0x95: {  	_ =	strace s4  }
0x96: {  	s4 =	sld [smem:$0x3FFD];
	_ =	sdelay $0x3  }
0x97: {  	_ =	strace s4  }
0x98: {  	_ =	strace $0x8FFFFFFF  }
0x99: {  	s19 =	sld [smem:$0x3FDB];
	_ =	sdelay $0x1  }
0x9a: {  	s5 =	simm.s32 $_scs_section_size  }
0x9b: {  	s6 =	simm.s32 $_size__tile_overlayer_lowered;
	s7 =	simm.s32 $_tile_overlayer_lowered  }
0x9c: {  	s22 =	simm.s32 $0x1BFF;
	s21 =	sshll.u32 s7, $0x1;
	s4 =	sadd.s32 s5, s19  }
0x9d: {  	s8 =	simm.s32 $0x0;
	s20 =	sshll.u32 s6, $0x1;
	s6 =	sadd.s32 s21, s4  }
0x9e: {  	[timem:s8], [sflag:s22] =	dma.local [hbm:s6], s20  }
0x9f: {  	_ =	swait.ge [sflag:s22], s20  }
0xa0: {  	s5 =	ssub.s32 $0x0, s20;
	[sflag:s22] =	ssyncset.done $0x0  }
0xa1: {  	[sflag:s22] =	ssyncadd.s32 s5;
	_ =	sdelay $0x1  }
0xa2: {  	s23 =	simm.s32 $0x1B8B  }
0xa3: {  	_ =	swait.ge [sflag:s23], $0x1  }
0xa4: {  	[sflag:s23] =	ssyncset.done $0x0  }
0xa5: {  	s25 =	simm.s32 $0x1B8E;
	s24 =	sld [smem:$0x3FFE];
	[sflag:s23] =	ssyncadd.s32 $0xFFFFFFFF  }
0xa6: {  	s26 =	simm.s32 $execute0_lowered;
	[smem:$0x3FD2] =	sst s25  }
0xa7: {  	s6 =	sshll.u32 s26, $0x1;
	_ =	strace $0x8000004C;
	[dreg:$0x1] =	wrdreg $0xFFFFFFFF  }
0xa8: {  	s28 =	simm.s32 $_size_execute0_lowered;
	s4 =	sadd.s32 s4, s6;
	[dreg:$0x0] =	wrdreg $0x0  }
0xa9: {  	s6 =	sshll.u32 s28, $0x1;
	[dreg:$0x2] =	wrdreg s4  }
0xaa: {  	[dreg:$0x3] =	wrdreg s6  }
0xab: {  	[dreg:$0x4] =	wrdreg $0xC0  }
0xac: {  	_ =	task [dreg:s8], $0x5FFFF  }
0xad: {  	[dreg:$0x1] =	wrdreg $0xFFFFFFFF  }
0xae: {  	[dreg:$0x0] =	wrdreg $0x60  }
0xaf: {  	[dreg:$0x2] =	wrdreg s2  }
0xb0: {  	[dreg:$0x3] =	wrdreg s24  }
0xb1: {  	[dreg:$0x4] =	wrdreg s18  }
0xb2: {  	[dreg:$0x5] =	wrdreg $0x9  }
0xb3: {  	_ =	task.clear_ibuf [dreg:s8], $0x6FFFF;
	_ =	strace $0x9000004C  }
0xb4: {  	s29 =	simm.s32 $0x9;
	_ =	strace $0x8000004E  }
0xb5: {  	_ =	swait.ge [sflag:s29], $0x1  }
0xb6: {  	[sflag:s29] =	ssyncadd.s32 $0xFFFFFFFF  }
0xb7: {  	_ =	strace $0x9000004E  }
0xb8: {  	_ =	sfence  }
0xb9: {  	s30 =	sld [smem:$0x0];
	_ =	sdelay $0x2  }
0xba: {  	s31 =	sshll.u32 s1, $0xD;
	s1 =	sshrl.u32 s1, $0x2  }
0xbb: {  	s3 =	sand.u32 $0x4000, s31;
	s1 =	sadd.s32 s1, s30  }
0xbc: {  	s0 =	sor.u32 s3, s0;
	s1 =	sshll.u32 s1, $0x11  }
0xbd: {  	s0 =	sor.u32 s1, s0  }
0xbe: {  	s0 =	sadd.s32 $0x8F2B, s0  }
0xbf: {  	[sflag:s0] =	ssyncadd.remote.s32 $0x1  }
0xc0: {  	_ =	sfence.sel $0xFFFF  }
0xc1: {  	[dreg:$0x0] =	wrdreg $0xFFFFFFFF;
	(pc) =	sbr.abs _section_cstart, $3  }
0xc2: {  	[dreg:$0x1] =	wrdreg $0xFFFFFFFF  }
0xc3: {  	_ =	task.clear_ibuf [dreg:s8], $0x2FFFF;
	_ =	strace $0x9FFFFFFF  }
0xc4: {  	(tm) =	ssettm $0x7FFFFFFF  }
0xc5: {  	_ =	shalt  }
tec
execute0_lowered:
.L_overlay_start_1:
0x0: {  	(tag) =	ssettag $0x1  }
0x1: {  	s1 =	rddreg [dreg:$0x0]  }
0x2: {  	s2 =	srdreg.scid;
	s4 =	rddreg [dreg:$0x1]  }
0x3: {  	s0 =	stileid.u32;
	s6 =	rddreg [dreg:$0x2];
	s19 =	simm.s32 $0x900  }
0x4: {  	s20 =	simm.s32 $0x1100;
	s21 =	simm.s32 $0x1900;
	s23 =	simm.s32 $0x2100  }
0x5: {  	s24 =	simm.s32 $0x2900;
	s25 =	simm.s32 $0x3100;
	s26 =	simm.s32 $0x3900  }
0x6: {  	s8 =	simm.s32 $0x4900;
	s9 =	simm.s32 $0x5100;
	s10 =	simm.s32 $0x5900  }
0x7: {  	s11 =	simm.s32 $0x6100;
	s12 =	simm.s32 $0x6900;
	s2 =	sand.u32 $0x1, s2  }
0x8: {  	s13 =	simm.s32 $0x7100;
	s3 =	sshll.u32 s0, $0x9;
	s5 =	sshll.u32 s2, $0x8  }
0x9: {  	s14 =	simm.s32 $0x7900;
	s5 =	sor.u32 s5, s3;
	s3 =	simm.s32 $0x0  }
0xa: {  	s15 =	simm.s32 $0x8100;
	s16 =	simm.s32 $0x8900;
	[smem:$0x7FF] =	sst s3  }
0xb: {  	s28 =	simm.s32 $0xE100;
	_ =	strace $0x8000004D;
	[dreg:$0x7] =	wrdreg s19  }
0xc: {  	s29 =	simm.s32 $0xE900;
	s30 =	simm.s32 $0xF100;
	[dreg:$0x8] =	wrdreg s20  }
0xd: {  	s31 =	simm.s32 $0xF900;
	s2 =	ssub.s32 $0x2, s2;
	[dreg:$0x9] =	wrdreg s21  }
0xe: {  	s22 =	sshrl.u32 s2, $0x1;
	s7 =	sshrl.u32 s5, $0x3;
	[dreg:$0xa] =	wrdreg s23  }
0xf: {  	s5 =	sshll.u32 s5, $0x5;
	s2 =	ssub.s32 s2, s22;
	[dreg:$0xb] =	wrdreg s24  }
0x10: {  	s22 =	simm.s32 $0xB900;
	s4 =	sadd.s32 s7, s4;
	[dreg:$0xc] =	wrdreg s25  }
0x11: {  	s5 =	sadd.s32 s5, s6;
	s6 =	simm.s32 $0x100;
	[dreg:$0xd] =	wrdreg s26  }
0x12: {  	s19 =	simm.s32 $0xA100;
	s20 =	simm.s32 $0xA900;
	s21 =	simm.s32 $0xB100  }
0x13: {  	s23 =	simm.s32 $0xC100;
	s24 =	simm.s32 $0xC900;
	s4 =	sadd.s32 $0x1800, s4  }
0x14: {  	s25 =	simm.s32 $0xD100;
	s17 =	sadd.s32 $0x80000, s5;
	[dreg:$0x4] =	wrdreg s4  }
0x15: {  	v2 =	vlaneseq.u32;
	s26 =	simm.s32 $0xD900;
	s18 =	sadd.s32 $0x81000, s5;
	[dreg:$0x5] =	wrdreg s17  }
0x16: {  	vm0 =	vmmov $0xffff;
	v1 =	vshrl.u32 v2, $0x3;
	s5 =	simm.s32 $0x2;
	[dreg:$0x6] =	wrdreg s18;
	s4 =	smax.u32 s2, $0x1  }
0x17: {  	v0 =	vand.u32 $0x7, v2;
	v2 =	vor.u32 $0x8, v2;
	v1 =	vmul.u32 $0x8, v1;
	s17 =	simm.s32 $0x9100;
	s18 =	simm.s32 $0x9900;
	s2 =	simm.s32 $0x1  }
.LBB2_1:
0x18: {  	s0 =	rddreg [dreg:$0x4]  }
0x19: {  	[tilespmem:s3], [sflag:$0x2] =	stream.linear.gather [hbm4b:s0+s3], $0x100, $0x38;
	[tilespmem:$0x10100] =	vst v63  }
0x1a: {  	_ =	swait.ge [sflag:s5], $0x100  }
0x1b: {  	[sflag:s5] =	ssyncset.done $0x0  }
0x1c: {  	[sflag:s5] =	ssyncadd.s32 $0xFFFFFF00  }
0x1d: {  	v3 =	vld [tilespmem:$0x0];
	_ =	sdelay $0x4  }
0x1e: {  	v4 =	vshll.u32 v3, $0x1  }
0x1f: {  	v3 =	vand.u32 $0x7, v3;
	v4 =	vand.u32 $0xFFFFFFF0, v4  }
0x20: {  	v3 =	vor.u32 v3, v4  }
0x21: {  	v4 =	vperm.xlane v3, v0;
	_ =	sdelay $0x1  }
0x22: {  	v3 =	vperm.xlane v3, v2;
	v4 =	vadd.s32 v1, v4;
	_ =	sdelay $0x1  }
0x23: {  	v3 =	vadd.s32 v1, v3;
	_ =	sdelay $0x2  }
0x24: {  	[tilespmem:s6], [sflag:$0x1] =	stream.indirect_vreg.gather [hbm4b:s1+s3], $0x80, v4, vm0, $0xb8;
	[tilespmem:$0x10100] =	vst v63  }
0x25: {  	s7 =	rddreg [dreg:$0x7]  }
0x26: {  	[tilespmem:s7], [sflag:$0x1] =	stream.indirect_vreg.gather [hbm4b:s1+s3], $0x80, v3, vm0, $0xb8;
	[tilespmem:$0x10100] =	vst v63  }
0x27: {  	v3 =	vld [tilespmem:$0x10];
	_ =	sdelay $0x4  }
0x28: {  	v49 =	vshll.u32 v3, $0x1  }
0x29: {  	v3 =	vand.u32 $0x7, v3;
	v4 =	vand.u32 $0xFFFFFFF0, v49  }
0x2a: {  	v3 =	vor.u32 v3, v4  }
0x2b: {  	v4 =	vperm.xlane v3, v0;
	_ =	sdelay $0x1  }
0x2c: {  	v3 =	vperm.xlane v3, v2;
	v4 =	vadd.s32 v1, v4;
	_ =	sdelay $0x1  }
0x2d: {  	v3 =	vadd.s32 v1, v3;
	_ =	sdelay $0x1  }
0x2e: {  	s0 =	rddreg [dreg:$0x8]  }
0x2f: {  	[tilespmem:s0], [sflag:$0x1] =	stream.indirect_vreg.gather [hbm4b:s1+s3], $0x80, v4, vm0, $0xb8;
	[tilespmem:$0x10100] =	vst v63  }
0x30: {  	s7 =	rddreg [dreg:$0x9]  }
0x31: {  	[tilespmem:s7], [sflag:$0x1] =	stream.indirect_vreg.gather [hbm4b:s1+s3], $0x80, v3, vm0, $0xb8;
	[tilespmem:$0x10100] =	vst v63  }
0x32: {  	v3 =	vld [tilespmem:$0x20];
	_ =	sdelay $0x4  }
0x33: {  	v50 =	vshll.u32 v3, $0x1  }
0x34: {  	v3 =	vand.u32 $0x7, v3;
	v4 =	vand.u32 $0xFFFFFFF0, v50  }
0x35: {  	v3 =	vor.u32 v3, v4  }
0x36: {  	v4 =	vperm.xlane v3, v0;
	_ =	sdelay $0x1  }
0x37: {  	v3 =	vperm.xlane v3, v2;
	v4 =	vadd.s32 v1, v4;
	_ =	sdelay $0x1  }
0x38: {  	v3 =	vadd.s32 v1, v3;
	_ =	sdelay $0x1  }
0x39: {  	s0 =	rddreg [dreg:$0xa]  }
0x3a: {  	[tilespmem:s0], [sflag:$0x1] =	stream.indirect_vreg.gather [hbm4b:s1+s3], $0x80, v4, vm0, $0xb8;
	[tilespmem:$0x10100] =	vst v63  }
0x3b: {  	s7 =	rddreg [dreg:$0xb]  }
0x3c: {  	[tilespmem:s7], [sflag:$0x1] =	stream.indirect_vreg.gather [hbm4b:s1+s3], $0x80, v3, vm0, $0xb8;
	[tilespmem:$0x10100] =	vst v63  }
0x3d: {  	v3 =	vld [tilespmem:$0x30];
	_ =	sdelay $0x4  }
0x3e: {  	v51 =	vshll.u32 v3, $0x1  }
0x3f: {  	v3 =	vand.u32 $0x7, v3;
	v4 =	vand.u32 $0xFFFFFFF0, v51  }
0x40: {  	v3 =	vor.u32 v3, v4  }
0x41: {  	v4 =	vperm.xlane v3, v0;
	_ =	sdelay $0x1  }
0x42: {  	v3 =	vperm.xlane v3, v2;
	v4 =	vadd.s32 v1, v4;
	_ =	sdelay $0x1  }
0x43: {  	v3 =	vadd.s32 v1, v3;
	_ =	sdelay $0x1  }
0x44: {  	s0 =	rddreg [dreg:$0xc]  }
0x45: {  	[tilespmem:s0], [sflag:$0x1] =	stream.indirect_vreg.gather [hbm4b:s1+s3], $0x80, v4, vm0, $0xb8;
	[tilespmem:$0x10100] =	vst v63  }
0x46: {  	s7 =	rddreg [dreg:$0xd]  }
0x47: {  	[tilespmem:s7], [sflag:$0x1] =	stream.indirect_vreg.gather [hbm4b:s1+s3], $0x80, v3, vm0, $0xb8;
	[tilespmem:$0x10100] =	vst v63  }
0x48: {  	v3 =	vld [tilespmem:$0x40];
	_ =	sdelay $0x4  }
0x49: {  	v52 =	vshll.u32 v3, $0x1  }
0x4a: {  	v3 =	vand.u32 $0x7, v3;
	v4 =	vand.u32 $0xFFFFFFF0, v52  }
0x4b: {  	v3 =	vor.u32 v3, v4  }
0x4c: {  	v4 =	vperm.xlane v3, v0;
	_ =	sdelay $0x1  }
0x4d: {  	v3 =	vperm.xlane v3, v2;
	v4 =	vadd.s32 v1, v4;
	_ =	sdelay $0x1  }
0x4e: {  	v3 =	vadd.s32 v1, v3;
	_ =	sdelay $0x1  }
0x4f: {  	s7 =	simm.s32 $0x4100  }
0x50: {  	[tilespmem:s7], [sflag:$0x1] =	stream.indirect_vreg.gather [hbm4b:s1+s3], $0x80, v4, vm0, $0xb8;
	[tilespmem:$0x10100] =	vst v63  }
0x51: {  	_ = 	snop  }
0x52: {  	[tilespmem:s8], [sflag:$0x1] =	stream.indirect_vreg.gather [hbm4b:s1+s3], $0x80, v3, vm0, $0xb8;
	[tilespmem:$0x10100] =	vst v63  }
0x53: {  	v3 =	vld [tilespmem:$0x50];
	_ =	sdelay $0x4  }
0x54: {  	v53 =	vshll.u32 v3, $0x1  }
0x55: {  	v3 =	vand.u32 $0x7, v3;
	v4 =	vand.u32 $0xFFFFFFF0, v53  }
0x56: {  	v3 =	vor.u32 v3, v4  }
0x57: {  	v4 =	vperm.xlane v3, v0;
	_ =	sdelay $0x1  }
0x58: {  	v3 =	vperm.xlane v3, v2;
	v4 =	vadd.s32 v1, v4;
	_ =	sdelay $0x1  }
0x59: {  	v3 =	vadd.s32 v1, v3;
	_ =	sdelay $0x2  }
0x5a: {  	[tilespmem:s9], [sflag:$0x1] =	stream.indirect_vreg.gather [hbm4b:s1+s3], $0x80, v4, vm0, $0xb8;
	[tilespmem:$0x10100] =	vst v63  }
0x5b: {  	_ = 	snop  }
0x5c: {  	[tilespmem:s10], [sflag:$0x1] =	stream.indirect_vreg.gather [hbm4b:s1+s3], $0x80, v3, vm0, $0xb8;
	[tilespmem:$0x10100] =	vst v63  }
0x5d: {  	v3 =	vld [tilespmem:$0x60];
	_ =	sdelay $0x4  }
0x5e: {  	v54 =	vshll.u32 v3, $0x1  }
0x5f: {  	v3 =	vand.u32 $0x7, v3;
	v4 =	vand.u32 $0xFFFFFFF0, v54  }
0x60: {  	v3 =	vor.u32 v3, v4  }
0x61: {  	v4 =	vperm.xlane v3, v0;
	_ =	sdelay $0x1  }
0x62: {  	v3 =	vperm.xlane v3, v2;
	v4 =	vadd.s32 v1, v4;
	_ =	sdelay $0x1  }
0x63: {  	v3 =	vadd.s32 v1, v3;
	_ =	sdelay $0x2  }
0x64: {  	[tilespmem:s11], [sflag:$0x1] =	stream.indirect_vreg.gather [hbm4b:s1+s3], $0x80, v4, vm0, $0xb8;
	[tilespmem:$0x10100] =	vst v63  }
0x65: {  	_ = 	snop  }
0x66: {  	[tilespmem:s12], [sflag:$0x1] =	stream.indirect_vreg.gather [hbm4b:s1+s3], $0x80, v3, vm0, $0xb8;
	[tilespmem:$0x10100] =	vst v63  }
0x67: {  	v3 =	vld [tilespmem:$0x70];
	_ =	sdelay $0x4  }
0x68: {  	v55 =	vshll.u32 v3, $0x1  }
0x69: {  	v3 =	vand.u32 $0x7, v3;
	v4 =	vand.u32 $0xFFFFFFF0, v55  }
0x6a: {  	v3 =	vor.u32 v3, v4  }
0x6b: {  	v4 =	vperm.xlane v3, v0;
	_ =	sdelay $0x1  }
0x6c: {  	v3 =	vperm.xlane v3, v2;
	v4 =	vadd.s32 v1, v4;
	_ =	sdelay $0x1  }
0x6d: {  	v3 =	vadd.s32 v1, v3;
	_ =	sdelay $0x2  }
0x6e: {  	[tilespmem:s13], [sflag:$0x1] =	stream.indirect_vreg.gather [hbm4b:s1+s3], $0x80, v4, vm0, $0xb8;
	[tilespmem:$0x10100] =	vst v63  }
0x6f: {  	_ = 	snop  }
0x70: {  	[tilespmem:s14], [sflag:$0x1] =	stream.indirect_vreg.gather [hbm4b:s1+s3], $0x80, v3, vm0, $0xb8;
	[tilespmem:$0x10100] =	vst v63  }
0x71: {  	v3 =	vld [tilespmem:$0x80];
	_ =	sdelay $0x4  }
0x72: {  	v56 =	vshll.u32 v3, $0x1  }
0x73: {  	v3 =	vand.u32 $0x7, v3;
	v4 =	vand.u32 $0xFFFFFFF0, v56  }
0x74: {  	v3 =	vor.u32 v3, v4  }
0x75: {  	v4 =	vperm.xlane v3, v0;
	_ =	sdelay $0x1  }
0x76: {  	v3 =	vperm.xlane v3, v2;
	v4 =	vadd.s32 v1, v4;
	_ =	sdelay $0x1  }
0x77: {  	v3 =	vadd.s32 v1, v3;
	_ =	sdelay $0x2  }
0x78: {  	[tilespmem:s15], [sflag:$0x1] =	stream.indirect_vreg.gather [hbm4b:s1+s3], $0x80, v4, vm0, $0xb8;
	[tilespmem:$0x10100] =	vst v63  }
0x79: {  	_ = 	snop  }
0x7a: {  	[tilespmem:s16], [sflag:$0x1] =	stream.indirect_vreg.gather [hbm4b:s1+s3], $0x80, v3, vm0, $0xb8;
	[tilespmem:$0x10100] =	vst v63  }
0x7b: {  	v3 =	vld [tilespmem:$0x90];
	_ =	sdelay $0x4  }
0x7c: {  	v57 =	vshll.u32 v3, $0x1  }
0x7d: {  	v3 =	vand.u32 $0x7, v3;
	v4 =	vand.u32 $0xFFFFFFF0, v57  }
0x7e: {  	v3 =	vor.u32 v3, v4  }
0x7f: {  	v4 =	vperm.xlane v3, v0;
	_ =	sdelay $0x1  }
0x80: {  	v3 =	vperm.xlane v3, v2;
	v4 =	vadd.s32 v1, v4;
	_ =	sdelay $0x1  }
0x81: {  	v3 =	vadd.s32 v1, v3;
	_ =	sdelay $0x2  }
0x82: {  	[tilespmem:s17], [sflag:$0x1] =	stream.indirect_vreg.gather [hbm4b:s1+s3], $0x80, v4, vm0, $0xb8;
	[tilespmem:$0x10100] =	vst v63  }
0x83: {  	_ = 	snop  }
0x84: {  	[tilespmem:s18], [sflag:$0x1] =	stream.indirect_vreg.gather [hbm4b:s1+s3], $0x80, v3, vm0, $0xb8;
	[tilespmem:$0x10100] =	vst v63  }
0x85: {  	v3 =	vld [tilespmem:$0xA0];
	_ =	sdelay $0x4  }
0x86: {  	v58 =	vshll.u32 v3, $0x1  }
0x87: {  	v3 =	vand.u32 $0x7, v3;
	v4 =	vand.u32 $0xFFFFFFF0, v58  }
0x88: {  	v3 =	vor.u32 v3, v4  }
0x89: {  	v4 =	vperm.xlane v3, v0;
	_ =	sdelay $0x1  }
0x8a: {  	v3 =	vperm.xlane v3, v2;
	v4 =	vadd.s32 v1, v4;
	_ =	sdelay $0x1  }
0x8b: {  	v3 =	vadd.s32 v1, v3;
	_ =	sdelay $0x2  }
0x8c: {  	[tilespmem:s19], [sflag:$0x1] =	stream.indirect_vreg.gather [hbm4b:s1+s3], $0x80, v4, vm0, $0xb8;
	[tilespmem:$0x10100] =	vst v63  }
0x8d: {  	_ = 	snop  }
0x8e: {  	[tilespmem:s20], [sflag:$0x1] =	stream.indirect_vreg.gather [hbm4b:s1+s3], $0x80, v3, vm0, $0xb8;
	[tilespmem:$0x10100] =	vst v63  }
0x8f: {  	v3 =	vld [tilespmem:$0xB0];
	_ =	sdelay $0x4  }
0x90: {  	v59 =	vshll.u32 v3, $0x1  }
0x91: {  	v3 =	vand.u32 $0x7, v3;
	v4 =	vand.u32 $0xFFFFFFF0, v59  }
0x92: {  	v3 =	vor.u32 v3, v4  }
0x93: {  	v4 =	vperm.xlane v3, v0;
	_ =	sdelay $0x1  }
0x94: {  	v3 =	vperm.xlane v3, v2;
	v4 =	vadd.s32 v1, v4;
	_ =	sdelay $0x1  }
0x95: {  	v3 =	vadd.s32 v1, v3;
	_ =	sdelay $0x2  }
0x96: {  	[tilespmem:s21], [sflag:$0x1] =	stream.indirect_vreg.gather [hbm4b:s1+s3], $0x80, v4, vm0, $0xb8;
	[tilespmem:$0x10100] =	vst v63  }
0x97: {  	_ = 	snop  }
0x98: {  	[tilespmem:s22], [sflag:$0x1] =	stream.indirect_vreg.gather [hbm4b:s1+s3], $0x80, v3, vm0, $0xb8;
	[tilespmem:$0x10100] =	vst v63  }
0x99: {  	v3 =	vld [tilespmem:$0xC0];
	_ =	sdelay $0x4  }
0x9a: {  	v60 =	vshll.u32 v3, $0x1  }
0x9b: {  	v3 =	vand.u32 $0x7, v3;
	v4 =	vand.u32 $0xFFFFFFF0, v60  }
0x9c: {  	v3 =	vor.u32 v3, v4  }
0x9d: {  	v4 =	vperm.xlane v3, v0;
	_ =	sdelay $0x1  }
0x9e: {  	v3 =	vperm.xlane v3, v2;
	v4 =	vadd.s32 v1, v4;
	_ =	sdelay $0x1  }
0x9f: {  	v3 =	vadd.s32 v1, v3;
	_ =	sdelay $0x2  }
0xa0: {  	[tilespmem:s23], [sflag:$0x1] =	stream.indirect_vreg.gather [hbm4b:s1+s3], $0x80, v4, vm0, $0xb8;
	[tilespmem:$0x10100] =	vst v63  }
0xa1: {  	_ = 	snop  }
0xa2: {  	[tilespmem:s24], [sflag:$0x1] =	stream.indirect_vreg.gather [hbm4b:s1+s3], $0x80, v3, vm0, $0xb8;
	[tilespmem:$0x10100] =	vst v63  }
0xa3: {  	v3 =	vld [tilespmem:$0xD0];
	_ =	sdelay $0x4  }
0xa4: {  	v61 =	vshll.u32 v3, $0x1  }
0xa5: {  	v3 =	vand.u32 $0x7, v3;
	v4 =	vand.u32 $0xFFFFFFF0, v61  }
0xa6: {  	v3 =	vor.u32 v3, v4  }
0xa7: {  	v4 =	vperm.xlane v3, v0;
	_ =	sdelay $0x1  }
0xa8: {  	v3 =	vperm.xlane v3, v2;
	v4 =	vadd.s32 v1, v4;
	_ =	sdelay $0x1  }
0xa9: {  	v3 =	vadd.s32 v1, v3;
	_ =	sdelay $0x2  }
0xaa: {  	[tilespmem:s25], [sflag:$0x1] =	stream.indirect_vreg.gather [hbm4b:s1+s3], $0x80, v4, vm0, $0xb8;
	[tilespmem:$0x10100] =	vst v63  }
0xab: {  	_ = 	snop  }
0xac: {  	[tilespmem:s26], [sflag:$0x1] =	stream.indirect_vreg.gather [hbm4b:s1+s3], $0x80, v3, vm0, $0xb8;
	[tilespmem:$0x10100] =	vst v63  }
0xad: {  	v3 =	vld [tilespmem:$0xE0];
	_ =	sdelay $0x4  }
0xae: {  	v62 =	vshll.u32 v3, $0x1  }
0xaf: {  	v3 =	vand.u32 $0x7, v3;
	v4 =	vand.u32 $0xFFFFFFF0, v62  }
0xb0: {  	v3 =	vor.u32 v3, v4  }
0xb1: {  	v4 =	vperm.xlane v3, v0;
	_ =	sdelay $0x1  }
0xb2: {  	v3 =	vperm.xlane v3, v2;
	v4 =	vadd.s32 v1, v4;
	_ =	sdelay $0x1  }
0xb3: {  	v3 =	vadd.s32 v1, v3;
	_ =	sdelay $0x2  }
0xb4: {  	[tilespmem:s28], [sflag:$0x1] =	stream.indirect_vreg.gather [hbm4b:s1+s3], $0x80, v4, vm0, $0xb8;
	[tilespmem:$0x10100] =	vst v63  }
0xb5: {  	_ = 	snop  }
0xb6: {  	[tilespmem:s29], [sflag:$0x1] =	stream.indirect_vreg.gather [hbm4b:s1+s3], $0x80, v3, vm0, $0xb8;
	[tilespmem:$0x10100] =	vst v63  }
0xb7: {  	v3 =	vld [tilespmem:$0xF0];
	_ =	sdelay $0x4  }
0xb8: {  	v63 =	vshll.u32 v3, $0x1  }
0xb9: {  	v3 =	vand.u32 $0x7, v3;
	v4 =	vand.u32 $0xFFFFFFF0, v63  }
0xba: {  	v3 =	vor.u32 v3, v4  }
0xbb: {  	v4 =	vperm.xlane v3, v0;
	_ =	sdelay $0x1  }
0xbc: {  	v3 =	vperm.xlane v3, v2;
	v4 =	vadd.s32 v1, v4;
	_ =	sdelay $0x1  }
0xbd: {  	v3 =	vadd.s32 v1, v3;
	_ =	sdelay $0x2  }
0xbe: {  	[tilespmem:s30], [sflag:$0x1] =	stream.indirect_vreg.gather [hbm4b:s1+s3], $0x80, v4, vm0, $0xb8;
	[tilespmem:$0x10100] =	vst v63  }
0xbf: {  	_ = 	snop  }
0xc0: {  	[tilespmem:s31], [sflag:$0x1] =	stream.indirect_vreg.gather [hbm4b:s1+s3], $0x80, v3, vm0, $0xb8;
	[tilespmem:$0x10100] =	vst v63  }
0xc1: {  	_ =	swait.ge [sflag:s2], $0x8000  }
0xc2: {  	[sflag:s2] =	ssyncset.done $0x0  }
0xc3: {  	s7 =	rddreg [dreg:$0x5];
	[sflag:s2] =	ssyncadd.s32 $0xFFFF8000  }
0xc4: {  	[hbm4b:s7+s3] =	stream.linear.scatter [tilespmem:s6], [sflag:$0x2], $0x8000, $0x38;
	[tilespmem:$0x10100] =	vst v63  }
0xc5: {  	_ =	swait.ge [sflag:s5], $0x8000  }
0xc6: {  	[sflag:s5] =	ssyncset.done $0x0  }
0xc7: {  	[sflag:s5] =	ssyncadd.s32 $0xFFFF8000  }
0xc8: {  	_ =	swait.ge [sflag:s2], $0x8000  }
0xc9: {  	p0 =	sne.s32 s4, $0x1;
	[sflag:s2] =	ssyncset.done $0x0  }
.Ltmp0:
0xca: {  	s7 =	rddreg [dreg:$0x6];
	[sflag:s2] =	ssyncadd.s32 $0xFFFF8000;
	(pc) =	sbr.rel @p0 .LBB2_1-.Ltmp0, $4  }
0xcb: {  	[hbm4b:s7+s3] =	stream.linear.scatter [tilespmem:s15], [sflag:$0x2], $0x8000, $0x38;
	[tilespmem:$0x10100] =	vst v63  }
0xcc: {  	_ =	swait.ge [sflag:s5], $0x8000  }
0xcd: {  	[sflag:s5] =	ssyncset.done $0x0  }
0xce: {  	s4 =	sadd.s32 $0xFFFFFFFF, s4;
	[sflag:s5] =	ssyncadd.s32 $0xFFFF8000  }
0xcf: {  	_ =	sfence.sel $0x180000  }
0xd0: {  	[bflag:$0x0] =	sbarrier.arrive $0xFFFF  }
0xd1: {  	_ =	strace $0x9000004D  }
0xd2: {  	s0 =	stileid.u32;
	[bflag:$0x2] =	sbarrier.arrive $0xFFFF  }
0xd3: {  	p0 =	sne.s32 s0, $0x0;
	s0 =	rddreg [dreg:$0x3]  }
0xd4: {  	s0 =	sadd.s32 @!p0 $0x100000, s0  }
0xd5: {  	[sflag:s0] =	ssyncadd.tile.s32 @!p0 $0x1;
	_ =	shalt  }
.Lfunc_end2:
_tile_overlayer_lowered:
.L_overlay_start_2:
0xd6: {  	(tag) =	ssettag $0x2  }
0xd7: {  	s0 =	rddreg [dreg:$0x0];
	s2 =	stileid.u32  }
0xd8: {  	s1 =	rddreg [dreg:$0x1];
	p0 =	sne.s32 s2, $0x0  }
0xd9: {  	s3 =	rddreg [dreg:$0x2];
	[bflag:$0x3] =	sbarrier.arrive $0xFFFF;
	s2 =	simm.s32 @!p0 $0x1C02  }
0xda: {  	[timem:s3], [sflag:s2] =	dma.local @!p0 [hbm:s0], s1  }
0xdb: {  	s0 =	simm.s32 @!p0 $0x2  }
0xdc: {  	_ =	swait.ge @!p0 [sflag:s0], s1  }
0xdd: {  	s1 =	ssub.s32 @!p0 $0x0, s1;
	[sflag:s0] =	ssyncset.done @!p0 $0x0  }
0xde: {  	[sflag:s0] =	ssyncadd.s32 @!p0 s1  }
0xdf: {  	[bflag:$0x3] =	sbarrier.arrive $0xFFFF  }
0xe0: {  	_ =	shalt  }

// kernel: kernel.19.cloned.1.call-start
scs
__scs_entry_jumppad:
0x0: {  	(pc) =	sbr.rel $0x88, $3  }
0x1: {  	(tag) =	ssettag $0x0;
	lr =	simm.s32 $0x1  }
0x2: {  	[smem:$0x3F9F] =	sst lr;
	_ =	strace $0xD0000000  }
0x3: {  	_ = 	snop  }
0x4: {  	_ = 	snop  }
0x5: {  	_ = 	snop  }
0x6: {  	_ = 	snop  }
0x7: {  	_ = 	snop  }
__scs_overlays_trampoline_lowered:
0x8: {  	[smem:$0x3FAE] =	sst s0  }
0x9: {  	[smem:$0x3FAF] =	sst s1  }
0xa: {  	[smem:$0x3FB0] =	sst s2  }
0xb: {  	[smem:$0x3FB1] =	sst s3  }
0xc: {  	[smem:$0x3FB2] =	sst s4  }
0xd: {  	[smem:$0x3FB3] =	sst s5  }
0xe: {  	[smem:$0x3FB4] =	sst s6  }
0xf: {  	[smem:$0x3FB5] =	sst s7  }
0x10: {  	[smem:$0x3FB6] =	sst s8  }
0x11: {  	[smem:$0x3FB7] =	sst s9;
	s0 =	simm.s32 @!p0 $0x0  }
0x12: {  	s1 =	sld [smem:$0x3F9D];
	s0 =	simm.s32 @p0 $0x1  }
0x13: {  	[smem:$0x3FB8] =	sst s0;
	s0 =	simm.s32 @!p1 $0x0  }
0x14: {  	s2 =	sld [smem:$0x3F9C];
	s0 =	simm.s32 @p1 $0x1  }
0x15: {  	[smem:$0x3FB9] =	sst s0;
	s0 =	simm.s32 @!p2 $0x0  }
0x16: {  	s3 =	sld [smem:$0x3FDB];
	s0 =	simm.s32 @p2 $0x1  }
0x17: {  	s4 =	simm.s32 $0x1BF5;
	[smem:$0x3FBB] =	sst s0  }
0x18: {  	s0 =	sld [smem:$0x3F9E];
	_ =	swait.ge [sflag:s4], $0x0  }
0x19: {  	s7 =	sld [smem:$0x3F9F]  }
0x1a: {  	s8 =	sadd.s32 $0xFFFFE003, lr  }
0x1b: {  	s9 =	sadd.s32 $0xFFFFFEF7, lr;
	s5 =	simm.s32 $0xFFFFFFFF;
	p2 =	slt.u32 s8, $0xFFFFF086  }
0x1c: {  	p1 =	slt.u32 s9, $0xF7A;
	s5 =	simm.s32 @!p2 $0x0  }
0x1d: {  	s5 =	simm.s32 @p1 $0x1;
	p0 =	seq.s32 s7, s2  }
0x1e: {  	s7 =	smul.u32 @!p0 $0xF7A, s2;
	p2 =	seq.s32 @!p0 s5, $0x0  }
0x1f: {  	s9 =	smul.u32 $0xF7A, s1;
	s8 =	simm.s32 @!p0 $0x1BF5;
	p2 =	por !p2, p0  }
0x20: {  	[sflag:s8] =	ssyncset.s32 @!p0 $0xFFFFF086;
	s6 =	sadd.s32 @!p0 s3, s7;
	s7 =	simm.s32 @!p0 $0x108  }
0x21: {  	s3 =	sadd.s32 s3, s9;
	s6 =	sadd.s32 @!p0 $0x88, s6;
	s7 =	simm.s32 @p2 $0x1082  }
0x22: {  	[simem:s7], [sflag:s8] =	dma.local @!p0 [hbm:s6], $0xF7A  }
0x23: {  	s9 =	sor.u32 $0xD0000000, s2;
	s6 =	simm.s32 $0x108;
	_ =	swait.ge @!p0 [sflag:s8], $0x0  }
0x24: {  	s3 =	sadd.s32 $0x88, s3;
	s6 =	simm.s32 @!p1 $0x1082;
	[sflag:s4] =	ssyncset.s32 $0xFFFFF086  }
0x25: {  	[simem:s6], [sflag:s4] =	dma.local [hbm:s3], $0xF7A  }
0x26: {  	[smem:$0x3F9F] =	sst s1;
	(tag) =	ssettag s2;
	_ =	strace s9  }
0x27: {  	s1 =	sld [smem:$0x3FAF]  }
0x28: {  	s2 =	sld [smem:$0x3FB0]  }
0x29: {  	s4 =	sld [smem:$0x3FB2]  }
0x2a: {  	p0 =	seq.s32 s5, $0x0;
	s5 =	sld [smem:$0x3FB3]  }
0x2b: {  	s6 =	sld [smem:$0x3FB4]  }
0x2c: {  	s7 =	sld [smem:$0x3FB5]  }
0x2d: {  	s3 =	simm.s32 $0x108;
	s8 =	sld [smem:$0x3FB6]  }
0x2e: {  	s3 =	simm.s32 @!p0 $0x1082;
	s9 =	sld [smem:$0x3FB7]  }
0x2f: {  	lr =	sadd.s32 s0, s3;
	s0 =	sld [smem:$0x3FAE]  }
0x30: {  	s3 =	sld [smem:$0x3FB1]  }
0x31: {  	[smem:$0x3FBA] =	sst s10  }
0x32: {  	s10 =	sld [smem:$0x3FB8];
	_ =	sdelay $0x3  }
0x33: {  	p0 =	seq.s32 s10, $0x1;
	s10 =	sld [smem:$0x3FBA];
	_ =	sdelay $0x3  }
0x34: {  	[smem:$0x3FBA] =	sst s10  }
0x35: {  	s10 =	sld [smem:$0x3FB9];
	_ =	sdelay $0x3  }
0x36: {  	p1 =	seq.s32 s10, $0x1;
	s10 =	sld [smem:$0x3FBA];
	_ =	sdelay $0x3  }
0x37: {  	[smem:$0x3FBA] =	sst s10  }
0x38: {  	s10 =	sld [smem:$0x3FBB]  }
0x39: {  	_ = 	snop;
	(pc) =	sbr.ind lr, $3  }
0x3a: {  	_ = 	snop  }
0x3b: {  	_ = 	snop  }
0x3c: {  	p2 =	seq.s32 s10, $0x1;
	s10 =	sld [smem:$0x3FBA]  }
0x3d: {  	_ =	shalt  }
0x3e: {  	_ =	shalt  }
0x3f: {  	_ =	shalt  }
0x40: {  	_ =	shalt  }
0x41: {  	_ =	shalt  }
0x42: {  	_ =	shalt  }
0x43: {  	_ =	shalt  }
0x44: {  	_ =	shalt  }
0x45: {  	_ =	shalt  }
0x46: {  	_ =	shalt  }
0x47: {  	_ =	shalt  }
0x48: {  	_ =	shalt  }
0x49: {  	_ =	shalt  }
0x4a: {  	_ =	shalt  }
0x4b: {  	_ =	shalt  }
0x4c: {  	_ =	shalt  }
0x4d: {  	_ =	shalt  }
0x4e: {  	_ =	shalt  }
0x4f: {  	_ =	shalt  }
0x50: {  	_ =	shalt  }
0x51: {  	_ =	shalt  }
0x52: {  	_ =	shalt  }
0x53: {  	_ =	shalt  }
0x54: {  	_ =	shalt  }
0x55: {  	_ =	shalt  }
0x56: {  	_ =	shalt  }
0x57: {  	_ =	shalt  }
0x58: {  	_ =	shalt  }
0x59: {  	_ =	shalt  }
0x5a: {  	_ =	shalt  }
0x5b: {  	_ =	shalt  }
0x5c: {  	_ =	shalt  }
0x5d: {  	_ =	shalt  }
0x5e: {  	_ =	shalt  }
0x5f: {  	_ =	shalt  }
0x60: {  	_ =	shalt  }
0x61: {  	_ =	shalt  }
0x62: {  	_ =	shalt  }
0x63: {  	_ =	shalt  }
0x64: {  	_ =	shalt  }
0x65: {  	_ =	shalt  }
0x66: {  	_ =	shalt  }
0x67: {  	_ =	shalt  }
0x68: {  	_ =	shalt  }
0x69: {  	_ =	shalt  }
0x6a: {  	_ =	shalt  }
0x6b: {  	_ =	shalt  }
0x6c: {  	_ =	shalt  }
0x6d: {  	_ =	shalt  }
0x6e: {  	_ =	shalt  }
0x6f: {  	_ =	shalt  }
0x70: {  	_ =	shalt  }
0x71: {  	_ =	shalt  }
0x72: {  	_ =	shalt  }
0x73: {  	_ =	shalt  }
0x74: {  	_ =	shalt  }
0x75: {  	_ =	shalt  }
0x76: {  	_ =	shalt  }
0x77: {  	_ =	shalt  }
0x78: {  	_ =	shalt  }
0x79: {  	_ =	shalt  }
0x7a: {  	_ =	shalt  }
0x7b: {  	_ =	shalt  }
0x7c: {  	_ =	shalt  }
0x7d: {  	_ =	shalt  }
0x7e: {  	_ =	shalt  }
0x7f: {  	_ =	shalt  }
0x80: {  	_ =	shalt  }
0x81: {  	_ =	shalt  }
0x82: {  	_ =	shalt  }
0x83: {  	_ =	shalt  }
0x84: {  	_ =	shalt  }
0x85: {  	_ =	shalt  }
0x86: {  	_ =	shalt  }
0x87: {  	_ =	shalt  }
.Lfunc_end0:
.L_simem_size_0:
called_computation.3_lowered:
.L_overlay_start_0:
0x88: {  	s2 =	sld [smem:$0x3FD9]  }
0x89: {  	s3 =	sld [smem:$0x3FFE];
	_ =	sdelay $0x1  }
0x8a: {  	s1 =	srdreg.scid  }
0x8b: {  	s0 =	sand.u32 $0x1, s1  }
0x8c: {  	s17 =	sshll.u32 s0, $0xA;
	s2 =	sadd.s32 s3, s2  }
0x8d: {  	s2 =	sadd.s32 s2, s17  }
0x8e: {  	[smem:$0x3FC6] =	sst s2  }
0x8f: {  	_ = 	snop  }
0x90: {  	s2 =	sld [smem:$0x3FC8]  }
0x91: {  	s18 =	sld [smem:$0x3FD0];
	(tm) =	ssettm $0x1  }
0x92: {  	s4 =	sld [smem:$0x3FFB];
	_ =	sdelay $0x3  }
0x93: {  	_ =	strace s4  }
0x94: {  	s4 =	sld [smem:$0x3FFC];
	_ =	sdelay $0x3  }
0x95: {  	_ =	strace s4  }
0x96: {  	s4 =	sld [smem:$0x3FFD];
	_ =	sdelay $0x3  }
0x97: {  	_ =	strace s4  }
0x98: {  	_ =	strace $0x8FFFFFFF  }
0x99: {  	s19 =	sld [smem:$0x3FDB];
	_ =	sdelay $0x1  }
0x9a: {  	s5 =	simm.s32 $_scs_section_size  }
0x9b: {  	s6 =	simm.s32 $_size__tile_overlayer_lowered;
	s7 =	simm.s32 $_tile_overlayer_lowered  }
0x9c: {  	s22 =	simm.s32 $0x1BFF;
	s21 =	sshll.u32 s7, $0x1;
	s4 =	sadd.s32 s5, s19  }
0x9d: {  	s8 =	simm.s32 $0x0;
	s20 =	sshll.u32 s6, $0x1;
	s6 =	sadd.s32 s21, s4  }
0x9e: {  	[timem:s8], [sflag:s22] =	dma.local [hbm:s6], s20  }
0x9f: {  	_ =	swait.ge [sflag:s22], s20  }
0xa0: {  	s5 =	ssub.s32 $0x0, s20;
	[sflag:s22] =	ssyncset.done $0x0  }
0xa1: {  	[sflag:s22] =	ssyncadd.s32 s5;
	_ =	sdelay $0x1  }
0xa2: {  	s23 =	simm.s32 $0x1B8B  }
0xa3: {  	_ =	swait.ge [sflag:s23], $0x1  }
0xa4: {  	[sflag:s23] =	ssyncset.done $0x0  }
0xa5: {  	s25 =	simm.s32 $0x1B8E;
	s24 =	sld [smem:$0x3FFE];
	[sflag:s23] =	ssyncadd.s32 $0xFFFFFFFF  }
0xa6: {  	s26 =	simm.s32 $execute0_lowered;
	[smem:$0x3FD2] =	sst s25  }
0xa7: {  	s6 =	sshll.u32 s26, $0x1;
	_ =	strace $0x8000004F;
	[dreg:$0x1] =	wrdreg $0xFFFFFFFF  }
0xa8: {  	s28 =	simm.s32 $_size_execute0_lowered;
	s4 =	sadd.s32 s4, s6;
	[dreg:$0x0] =	wrdreg $0x0  }
0xa9: {  	s6 =	sshll.u32 s28, $0x1;
	[dreg:$0x2] =	wrdreg s4  }
0xaa: {  	[dreg:$0x3] =	wrdreg s6  }
0xab: {  	[dreg:$0x4] =	wrdreg $0xC0  }
0xac: {  	_ =	task [dreg:s8], $0x5FFFF  }
0xad: {  	[dreg:$0x1] =	wrdreg $0xFFFFFFFF  }
0xae: {  	[dreg:$0x0] =	wrdreg $0x60  }
0xaf: {  	[dreg:$0x2] =	wrdreg s2  }
0xb0: {  	[dreg:$0x3] =	wrdreg s24  }
0xb1: {  	[dreg:$0x4] =	wrdreg s18  }
0xb2: {  	[dreg:$0x5] =	wrdreg $0x9  }
0xb3: {  	_ =	task.clear_ibuf [dreg:s8], $0x6FFFF;
	_ =	strace $0x9000004F  }
0xb4: {  	s29 =	simm.s32 $0x9;
	_ =	strace $0x80000051  }
0xb5: {  	_ =	swait.ge [sflag:s29], $0x1  }
0xb6: {  	[sflag:s29] =	ssyncadd.s32 $0xFFFFFFFF  }
0xb7: {  	_ =	strace $0x90000051  }
0xb8: {  	_ =	sfence  }
0xb9: {  	s30 =	sld [smem:$0x0];
	_ =	sdelay $0x2  }
0xba: {  	s31 =	sshll.u32 s1, $0xD;
	s1 =	sshrl.u32 s1, $0x2  }
0xbb: {  	s3 =	sand.u32 $0x4000, s31;
	s1 =	sadd.s32 s1, s30  }
0xbc: {  	s0 =	sor.u32 s3, s0;
	s1 =	sshll.u32 s1, $0x11  }
0xbd: {  	s0 =	sor.u32 s1, s0  }
0xbe: {  	s0 =	sadd.s32 $0x8F2B, s0  }
0xbf: {  	[sflag:s0] =	ssyncadd.remote.s32 $0x1  }
0xc0: {  	_ =	sfence.sel $0xFFFF  }
0xc1: {  	[dreg:$0x0] =	wrdreg $0xFFFFFFFF;
	(pc) =	sbr.abs _section_cstart, $3  }
0xc2: {  	[dreg:$0x1] =	wrdreg $0xFFFFFFFF  }
0xc3: {  	_ =	task.clear_ibuf [dreg:s8], $0x2FFFF;
	_ =	strace $0x9FFFFFFF  }
0xc4: {  	(tm) =	ssettm $0x7FFFFFFF  }
0xc5: {  	_ =	shalt  }
tec
execute0_lowered:
.L_overlay_start_1:
0x0: {  	(tag) =	ssettag $0x1  }
0x1: {  	s1 =	rddreg [dreg:$0x0]  }
0x2: {  	s2 =	srdreg.scid;
	s4 =	rddreg [dreg:$0x1]  }
0x3: {  	s0 =	stileid.u32;
	s6 =	rddreg [dreg:$0x2];
	s19 =	simm.s32 $0x900  }
0x4: {  	s20 =	simm.s32 $0x1100;
	s21 =	simm.s32 $0x1900;
	s23 =	simm.s32 $0x2100  }
0x5: {  	s24 =	simm.s32 $0x2900;
	s25 =	simm.s32 $0x3100;
	s26 =	simm.s32 $0x3900  }
0x6: {  	s8 =	simm.s32 $0x4900;
	s9 =	simm.s32 $0x5100;
	s10 =	simm.s32 $0x5900  }
0x7: {  	s11 =	simm.s32 $0x6100;
	s12 =	simm.s32 $0x6900;
	s2 =	sand.u32 $0x1, s2  }
0x8: {  	s13 =	simm.s32 $0x7100;
	s3 =	sshll.u32 s0, $0x9;
	s5 =	sshll.u32 s2, $0x8  }
0x9: {  	s14 =	simm.s32 $0x7900;
	s5 =	sor.u32 s5, s3;
	s3 =	simm.s32 $0x0  }
0xa: {  	s15 =	simm.s32 $0x8100;
	s16 =	simm.s32 $0x8900;
	[smem:$0x7FF] =	sst s3  }
0xb: {  	s28 =	simm.s32 $0xE100;
	_ =	strace $0x80000050;
	[dreg:$0x7] =	wrdreg s19  }
0xc: {  	s29 =	simm.s32 $0xE900;
	s30 =	simm.s32 $0xF100;
	[dreg:$0x8] =	wrdreg s20  }
0xd: {  	s31 =	simm.s32 $0xF900;
	s2 =	ssub.s32 $0x2, s2;
	[dreg:$0x9] =	wrdreg s21  }
0xe: {  	s22 =	sshrl.u32 s2, $0x1;
	s7 =	sshrl.u32 s5, $0x3;
	[dreg:$0xa] =	wrdreg s23  }
0xf: {  	s5 =	sshll.u32 s5, $0x5;
	s2 =	ssub.s32 s2, s22;
	[dreg:$0xb] =	wrdreg s24  }
0x10: {  	s22 =	simm.s32 $0xB900;
	s4 =	sadd.s32 s7, s4;
	[dreg:$0xc] =	wrdreg s25  }
0x11: {  	s5 =	sadd.s32 s5, s6;
	s6 =	simm.s32 $0x100;
	[dreg:$0xd] =	wrdreg s26  }
0x12: {  	s19 =	simm.s32 $0xA100;
	s20 =	simm.s32 $0xA900;
	s21 =	simm.s32 $0xB100  }
0x13: {  	s23 =	simm.s32 $0xC100;
	s24 =	simm.s32 $0xC900;
	s4 =	sadd.s32 $0x1C00, s4  }
0x14: {  	s25 =	simm.s32 $0xD100;
	s17 =	sadd.s32 $0xC0000, s5;
	[dreg:$0x4] =	wrdreg s4  }
0x15: {  	v2 =	vlaneseq.u32;
	s26 =	simm.s32 $0xD900;
	s18 =	sadd.s32 $0xC1000, s5;
	[dreg:$0x5] =	wrdreg s17  }
0x16: {  	vm0 =	vmmov $0xffff;
	v1 =	vshrl.u32 v2, $0x3;
	s5 =	simm.s32 $0x2;
	[dreg:$0x6] =	wrdreg s18;
	s4 =	smax.u32 s2, $0x1  }
0x17: {  	v0 =	vand.u32 $0x7, v2;
	v2 =	vor.u32 $0x8, v2;
	v1 =	vmul.u32 $0x8, v1;
	s17 =	simm.s32 $0x9100;
	s18 =	simm.s32 $0x9900;
	s2 =	simm.s32 $0x1  }
.LBB2_1:
0x18: {  	s0 =	rddreg [dreg:$0x4]  }
0x19: {  	[tilespmem:s3], [sflag:$0x2] =	stream.linear.gather [hbm4b:s0+s3], $0x100, $0x38;
	[tilespmem:$0x10100] =	vst v63  }
0x1a: {  	_ =	swait.ge [sflag:s5], $0x100  }
0x1b: {  	[sflag:s5] =	ssyncset.done $0x0  }
0x1c: {  	[sflag:s5] =	ssyncadd.s32 $0xFFFFFF00  }
0x1d: {  	v3 =	vld [tilespmem:$0x0];
	_ =	sdelay $0x4  }
0x1e: {  	v4 =	vshll.u32 v3, $0x1  }
0x1f: {  	v3 =	vand.u32 $0x7, v3;
	v4 =	vand.u32 $0xFFFFFFF0, v4  }
0x20: {  	v3 =	vor.u32 v3, v4  }
0x21: {  	v4 =	vperm.xlane v3, v0;
	_ =	sdelay $0x1  }
0x22: {  	v3 =	vperm.xlane v3, v2;
	v4 =	vadd.s32 v1, v4;
	_ =	sdelay $0x1  }
0x23: {  	v3 =	vadd.s32 v1, v3;
	_ =	sdelay $0x2  }
0x24: {  	[tilespmem:s6], [sflag:$0x1] =	stream.indirect_vreg.gather [hbm4b:s1+s3], $0x80, v4, vm0, $0xb8;
	[tilespmem:$0x10100] =	vst v63  }
0x25: {  	s7 =	rddreg [dreg:$0x7]  }
0x26: {  	[tilespmem:s7], [sflag:$0x1] =	stream.indirect_vreg.gather [hbm4b:s1+s3], $0x80, v3, vm0, $0xb8;
	[tilespmem:$0x10100] =	vst v63  }
0x27: {  	v3 =	vld [tilespmem:$0x10];
	_ =	sdelay $0x4  }
0x28: {  	v49 =	vshll.u32 v3, $0x1  }
0x29: {  	v3 =	vand.u32 $0x7, v3;
	v4 =	vand.u32 $0xFFFFFFF0, v49  }
0x2a: {  	v3 =	vor.u32 v3, v4  }
0x2b: {  	v4 =	vperm.xlane v3, v0;
	_ =	sdelay $0x1  }
0x2c: {  	v3 =	vperm.xlane v3, v2;
	v4 =	vadd.s32 v1, v4;
	_ =	sdelay $0x1  }
0x2d: {  	v3 =	vadd.s32 v1, v3;
	_ =	sdelay $0x1  }
0x2e: {  	s0 =	rddreg [dreg:$0x8]  }
0x2f: {  	[tilespmem:s0], [sflag:$0x1] =	stream.indirect_vreg.gather [hbm4b:s1+s3], $0x80, v4, vm0, $0xb8;
	[tilespmem:$0x10100] =	vst v63  }
0x30: {  	s7 =	rddreg [dreg:$0x9]  }
0x31: {  	[tilespmem:s7], [sflag:$0x1] =	stream.indirect_vreg.gather [hbm4b:s1+s3], $0x80, v3, vm0, $0xb8;
	[tilespmem:$0x10100] =	vst v63  }
0x32: {  	v3 =	vld [tilespmem:$0x20];
	_ =	sdelay $0x4  }
0x33: {  	v50 =	vshll.u32 v3, $0x1  }
0x34: {  	v3 =	vand.u32 $0x7, v3;
	v4 =	vand.u32 $0xFFFFFFF0, v50  }
0x35: {  	v3 =	vor.u32 v3, v4  }
0x36: {  	v4 =	vperm.xlane v3, v0;
	_ =	sdelay $0x1  }
0x37: {  	v3 =	vperm.xlane v3, v2;
	v4 =	vadd.s32 v1, v4;
	_ =	sdelay $0x1  }
0x38: {  	v3 =	vadd.s32 v1, v3;
	_ =	sdelay $0x1  }
0x39: {  	s0 =	rddreg [dreg:$0xa]  }
0x3a: {  	[tilespmem:s0], [sflag:$0x1] =	stream.indirect_vreg.gather [hbm4b:s1+s3], $0x80, v4, vm0, $0xb8;
	[tilespmem:$0x10100] =	vst v63  }
0x3b: {  	s7 =	rddreg [dreg:$0xb]  }
0x3c: {  	[tilespmem:s7], [sflag:$0x1] =	stream.indirect_vreg.gather [hbm4b:s1+s3], $0x80, v3, vm0, $0xb8;
	[tilespmem:$0x10100] =	vst v63  }
0x3d: {  	v3 =	vld [tilespmem:$0x30];
	_ =	sdelay $0x4  }
0x3e: {  	v51 =	vshll.u32 v3, $0x1  }
0x3f: {  	v3 =	vand.u32 $0x7, v3;
	v4 =	vand.u32 $0xFFFFFFF0, v51  }
0x40: {  	v3 =	vor.u32 v3, v4  }
0x41: {  	v4 =	vperm.xlane v3, v0;
	_ =	sdelay $0x1  }
0x42: {  	v3 =	vperm.xlane v3, v2;
	v4 =	vadd.s32 v1, v4;
	_ =	sdelay $0x1  }
0x43: {  	v3 =	vadd.s32 v1, v3;
	_ =	sdelay $0x1  }
0x44: {  	s0 =	rddreg [dreg:$0xc]  }
0x45: {  	[tilespmem:s0], [sflag:$0x1] =	stream.indirect_vreg.gather [hbm4b:s1+s3], $0x80, v4, vm0, $0xb8;
	[tilespmem:$0x10100] =	vst v63  }
0x46: {  	s7 =	rddreg [dreg:$0xd]  }
0x47: {  	[tilespmem:s7], [sflag:$0x1] =	stream.indirect_vreg.gather [hbm4b:s1+s3], $0x80, v3, vm0, $0xb8;
	[tilespmem:$0x10100] =	vst v63  }
0x48: {  	v3 =	vld [tilespmem:$0x40];
	_ =	sdelay $0x4  }
0x49: {  	v52 =	vshll.u32 v3, $0x1  }
0x4a: {  	v3 =	vand.u32 $0x7, v3;
	v4 =	vand.u32 $0xFFFFFFF0, v52  }
0x4b: {  	v3 =	vor.u32 v3, v4  }
0x4c: {  	v4 =	vperm.xlane v3, v0;
	_ =	sdelay $0x1  }
0x4d: {  	v3 =	vperm.xlane v3, v2;
	v4 =	vadd.s32 v1, v4;
	_ =	sdelay $0x1  }
0x4e: {  	v3 =	vadd.s32 v1, v3;
	_ =	sdelay $0x1  }
0x4f: {  	s7 =	simm.s32 $0x4100  }
0x50: {  	[tilespmem:s7], [sflag:$0x1] =	stream.indirect_vreg.gather [hbm4b:s1+s3], $0x80, v4, vm0, $0xb8;
	[tilespmem:$0x10100] =	vst v63  }
0x51: {  	_ = 	snop  }
0x52: {  	[tilespmem:s8], [sflag:$0x1] =	stream.indirect_vreg.gather [hbm4b:s1+s3], $0x80, v3, vm0, $0xb8;
	[tilespmem:$0x10100] =	vst v63  }
0x53: {  	v3 =	vld [tilespmem:$0x50];
	_ =	sdelay $0x4  }
0x54: {  	v53 =	vshll.u32 v3, $0x1  }
0x55: {  	v3 =	vand.u32 $0x7, v3;
	v4 =	vand.u32 $0xFFFFFFF0, v53  }
0x56: {  	v3 =	vor.u32 v3, v4  }
0x57: {  	v4 =	vperm.xlane v3, v0;
	_ =	sdelay $0x1  }
0x58: {  	v3 =	vperm.xlane v3, v2;
	v4 =	vadd.s32 v1, v4;
	_ =	sdelay $0x1  }
0x59: {  	v3 =	vadd.s32 v1, v3;
	_ =	sdelay $0x2  }
0x5a: {  	[tilespmem:s9], [sflag:$0x1] =	stream.indirect_vreg.gather [hbm4b:s1+s3], $0x80, v4, vm0, $0xb8;
	[tilespmem:$0x10100] =	vst v63  }
0x5b: {  	_ = 	snop  }
0x5c: {  	[tilespmem:s10], [sflag:$0x1] =	stream.indirect_vreg.gather [hbm4b:s1+s3], $0x80, v3, vm0, $0xb8;
	[tilespmem:$0x10100] =	vst v63  }
0x5d: {  	v3 =	vld [tilespmem:$0x60];
	_ =	sdelay $0x4  }
0x5e: {  	v54 =	vshll.u32 v3, $0x1  }
0x5f: {  	v3 =	vand.u32 $0x7, v3;
	v4 =	vand.u32 $0xFFFFFFF0, v54  }
0x60: {  	v3 =	vor.u32 v3, v4  }
0x61: {  	v4 =	vperm.xlane v3, v0;
	_ =	sdelay $0x1  }
0x62: {  	v3 =	vperm.xlane v3, v2;
	v4 =	vadd.s32 v1, v4;
	_ =	sdelay $0x1  }
0x63: {  	v3 =	vadd.s32 v1, v3;
	_ =	sdelay $0x2  }
0x64: {  	[tilespmem:s11], [sflag:$0x1] =	stream.indirect_vreg.gather [hbm4b:s1+s3], $0x80, v4, vm0, $0xb8;
	[tilespmem:$0x10100] =	vst v63  }
0x65: {  	_ = 	snop  }
0x66: {  	[tilespmem:s12], [sflag:$0x1] =	stream.indirect_vreg.gather [hbm4b:s1+s3], $0x80, v3, vm0, $0xb8;
	[tilespmem:$0x10100] =	vst v63  }
0x67: {  	v3 =	vld [tilespmem:$0x70];
	_ =	sdelay $0x4  }
0x68: {  	v55 =	vshll.u32 v3, $0x1  }
0x69: {  	v3 =	vand.u32 $0x7, v3;
	v4 =	vand.u32 $0xFFFFFFF0, v55  }
0x6a: {  	v3 =	vor.u32 v3, v4  }
0x6b: {  	v4 =	vperm.xlane v3, v0;
	_ =	sdelay $0x1  }
0x6c: {  	v3 =	vperm.xlane v3, v2;
	v4 =	vadd.s32 v1, v4;
	_ =	sdelay $0x1  }
0x6d: {  	v3 =	vadd.s32 v1, v3;
	_ =	sdelay $0x2  }
0x6e: {  	[tilespmem:s13], [sflag:$0x1] =	stream.indirect_vreg.gather [hbm4b:s1+s3], $0x80, v4, vm0, $0xb8;
	[tilespmem:$0x10100] =	vst v63  }
0x6f: {  	_ = 	snop  }
0x70: {  	[tilespmem:s14], [sflag:$0x1] =	stream.indirect_vreg.gather [hbm4b:s1+s3], $0x80, v3, vm0, $0xb8;
	[tilespmem:$0x10100] =	vst v63  }
0x71: {  	v3 =	vld [tilespmem:$0x80];
	_ =	sdelay $0x4  }
0x72: {  	v56 =	vshll.u32 v3, $0x1  }
0x73: {  	v3 =	vand.u32 $0x7, v3;
	v4 =	vand.u32 $0xFFFFFFF0, v56  }
0x74: {  	v3 =	vor.u32 v3, v4  }
0x75: {  	v4 =	vperm.xlane v3, v0;
	_ =	sdelay $0x1  }
0x76: {  	v3 =	vperm.xlane v3, v2;
	v4 =	vadd.s32 v1, v4;
	_ =	sdelay $0x1  }
0x77: {  	v3 =	vadd.s32 v1, v3;
	_ =	sdelay $0x2  }
0x78: {  	[tilespmem:s15], [sflag:$0x1] =	stream.indirect_vreg.gather [hbm4b:s1+s3], $0x80, v4, vm0, $0xb8;
	[tilespmem:$0x10100] =	vst v63  }
0x79: {  	_ = 	snop  }
0x7a: {  	[tilespmem:s16], [sflag:$0x1] =	stream.indirect_vreg.gather [hbm4b:s1+s3], $0x80, v3, vm0, $0xb8;
	[tilespmem:$0x10100] =	vst v63  }
0x7b: {  	v3 =	vld [tilespmem:$0x90];
	_ =	sdelay $0x4  }
0x7c: {  	v57 =	vshll.u32 v3, $0x1  }
0x7d: {  	v3 =	vand.u32 $0x7, v3;
	v4 =	vand.u32 $0xFFFFFFF0, v57  }
0x7e: {  	v3 =	vor.u32 v3, v4  }
0x7f: {  	v4 =	vperm.xlane v3, v0;
	_ =	sdelay $0x1  }
0x80: {  	v3 =	vperm.xlane v3, v2;
	v4 =	vadd.s32 v1, v4;
	_ =	sdelay $0x1  }
0x81: {  	v3 =	vadd.s32 v1, v3;
	_ =	sdelay $0x2  }
0x82: {  	[tilespmem:s17], [sflag:$0x1] =	stream.indirect_vreg.gather [hbm4b:s1+s3], $0x80, v4, vm0, $0xb8;
	[tilespmem:$0x10100] =	vst v63  }
0x83: {  	_ = 	snop  }
0x84: {  	[tilespmem:s18], [sflag:$0x1] =	stream.indirect_vreg.gather [hbm4b:s1+s3], $0x80, v3, vm0, $0xb8;
	[tilespmem:$0x10100] =	vst v63  }
0x85: {  	v3 =	vld [tilespmem:$0xA0];
	_ =	sdelay $0x4  }
0x86: {  	v58 =	vshll.u32 v3, $0x1  }
0x87: {  	v3 =	vand.u32 $0x7, v3;
	v4 =	vand.u32 $0xFFFFFFF0, v58  }
0x88: {  	v3 =	vor.u32 v3, v4  }
0x89: {  	v4 =	vperm.xlane v3, v0;
	_ =	sdelay $0x1  }
0x8a: {  	v3 =	vperm.xlane v3, v2;
	v4 =	vadd.s32 v1, v4;
	_ =	sdelay $0x1  }
0x8b: {  	v3 =	vadd.s32 v1, v3;
	_ =	sdelay $0x2  }
0x8c: {  	[tilespmem:s19], [sflag:$0x1] =	stream.indirect_vreg.gather [hbm4b:s1+s3], $0x80, v4, vm0, $0xb8;
	[tilespmem:$0x10100] =	vst v63  }
0x8d: {  	_ = 	snop  }
0x8e: {  	[tilespmem:s20], [sflag:$0x1] =	stream.indirect_vreg.gather [hbm4b:s1+s3], $0x80, v3, vm0, $0xb8;
	[tilespmem:$0x10100] =	vst v63  }
0x8f: {  	v3 =	vld [tilespmem:$0xB0];
	_ =	sdelay $0x4  }
0x90: {  	v59 =	vshll.u32 v3, $0x1  }
0x91: {  	v3 =	vand.u32 $0x7, v3;
	v4 =	vand.u32 $0xFFFFFFF0, v59  }
0x92: {  	v3 =	vor.u32 v3, v4  }
0x93: {  	v4 =	vperm.xlane v3, v0;
	_ =	sdelay $0x1  }
0x94: {  	v3 =	vperm.xlane v3, v2;
	v4 =	vadd.s32 v1, v4;
	_ =	sdelay $0x1  }
0x95: {  	v3 =	vadd.s32 v1, v3;
	_ =	sdelay $0x2  }
0x96: {  	[tilespmem:s21], [sflag:$0x1] =	stream.indirect_vreg.gather [hbm4b:s1+s3], $0x80, v4, vm0, $0xb8;
	[tilespmem:$0x10100] =	vst v63  }
0x97: {  	_ = 	snop  }
0x98: {  	[tilespmem:s22], [sflag:$0x1] =	stream.indirect_vreg.gather [hbm4b:s1+s3], $0x80, v3, vm0, $0xb8;
	[tilespmem:$0x10100] =	vst v63  }
0x99: {  	v3 =	vld [tilespmem:$0xC0];
	_ =	sdelay $0x4  }
0x9a: {  	v60 =	vshll.u32 v3, $0x1  }
0x9b: {  	v3 =	vand.u32 $0x7, v3;
	v4 =	vand.u32 $0xFFFFFFF0, v60  }
0x9c: {  	v3 =	vor.u32 v3, v4  }
0x9d: {  	v4 =	vperm.xlane v3, v0;
	_ =	sdelay $0x1  }
0x9e: {  	v3 =	vperm.xlane v3, v2;
	v4 =	vadd.s32 v1, v4;
	_ =	sdelay $0x1  }
0x9f: {  	v3 =	vadd.s32 v1, v3;
	_ =	sdelay $0x2  }
0xa0: {  	[tilespmem:s23], [sflag:$0x1] =	stream.indirect_vreg.gather [hbm4b:s1+s3], $0x80, v4, vm0, $0xb8;
	[tilespmem:$0x10100] =	vst v63  }
0xa1: {  	_ = 	snop  }
0xa2: {  	[tilespmem:s24], [sflag:$0x1] =	stream.indirect_vreg.gather [hbm4b:s1+s3], $0x80, v3, vm0, $0xb8;
	[tilespmem:$0x10100] =	vst v63  }
0xa3: {  	v3 =	vld [tilespmem:$0xD0];
	_ =	sdelay $0x4  }
0xa4: {  	v61 =	vshll.u32 v3, $0x1  }
0xa5: {  	v3 =	vand.u32 $0x7, v3;
	v4 =	vand.u32 $0xFFFFFFF0, v61  }
0xa6: {  	v3 =	vor.u32 v3, v4  }
0xa7: {  	v4 =	vperm.xlane v3, v0;
	_ =	sdelay $0x1  }
0xa8: {  	v3 =	vperm.xlane v3, v2;
	v4 =	vadd.s32 v1, v4;
	_ =	sdelay $0x1  }
0xa9: {  	v3 =	vadd.s32 v1, v3;
	_ =	sdelay $0x2  }
0xaa: {  	[tilespmem:s25], [sflag:$0x1] =	stream.indirect_vreg.gather [hbm4b:s1+s3], $0x80, v4, vm0, $0xb8;
	[tilespmem:$0x10100] =	vst v63  }
0xab: {  	_ = 	snop  }
0xac: {  	[tilespmem:s26], [sflag:$0x1] =	stream.indirect_vreg.gather [hbm4b:s1+s3], $0x80, v3, vm0, $0xb8;
	[tilespmem:$0x10100] =	vst v63  }
0xad: {  	v3 =	vld [tilespmem:$0xE0];
	_ =	sdelay $0x4  }
0xae: {  	v62 =	vshll.u32 v3, $0x1  }
0xaf: {  	v3 =	vand.u32 $0x7, v3;
	v4 =	vand.u32 $0xFFFFFFF0, v62  }
0xb0: {  	v3 =	vor.u32 v3, v4  }
0xb1: {  	v4 =	vperm.xlane v3, v0;
	_ =	sdelay $0x1  }
0xb2: {  	v3 =	vperm.xlane v3, v2;
	v4 =	vadd.s32 v1, v4;
	_ =	sdelay $0x1  }
0xb3: {  	v3 =	vadd.s32 v1, v3;
	_ =	sdelay $0x2  }
0xb4: {  	[tilespmem:s28], [sflag:$0x1] =	stream.indirect_vreg.gather [hbm4b:s1+s3], $0x80, v4, vm0, $0xb8;
	[tilespmem:$0x10100] =	vst v63  }
0xb5: {  	_ = 	snop  }
0xb6: {  	[tilespmem:s29], [sflag:$0x1] =	stream.indirect_vreg.gather [hbm4b:s1+s3], $0x80, v3, vm0, $0xb8;
	[tilespmem:$0x10100] =	vst v63  }
0xb7: {  	v3 =	vld [tilespmem:$0xF0];
	_ =	sdelay $0x4  }
0xb8: {  	v63 =	vshll.u32 v3, $0x1  }
0xb9: {  	v3 =	vand.u32 $0x7, v3;
	v4 =	vand.u32 $0xFFFFFFF0, v63  }
0xba: {  	v3 =	vor.u32 v3, v4  }
0xbb: {  	v4 =	vperm.xlane v3, v0;
	_ =	sdelay $0x1  }
0xbc: {  	v3 =	vperm.xlane v3, v2;
	v4 =	vadd.s32 v1, v4;
	_ =	sdelay $0x1  }
0xbd: {  	v3 =	vadd.s32 v1, v3;
	_ =	sdelay $0x2  }
0xbe: {  	[tilespmem:s30], [sflag:$0x1] =	stream.indirect_vreg.gather [hbm4b:s1+s3], $0x80, v4, vm0, $0xb8;
	[tilespmem:$0x10100] =	vst v63  }
0xbf: {  	_ = 	snop  }
0xc0: {  	[tilespmem:s31], [sflag:$0x1] =	stream.indirect_vreg.gather [hbm4b:s1+s3], $0x80, v3, vm0, $0xb8;
	[tilespmem:$0x10100] =	vst v63  }
0xc1: {  	_ =	swait.ge [sflag:s2], $0x8000  }
0xc2: {  	[sflag:s2] =	ssyncset.done $0x0  }
0xc3: {  	s7 =	rddreg [dreg:$0x5];
	[sflag:s2] =	ssyncadd.s32 $0xFFFF8000  }
0xc4: {  	[hbm4b:s7+s3] =	stream.linear.scatter [tilespmem:s6], [sflag:$0x2], $0x8000, $0x38;
	[tilespmem:$0x10100] =	vst v63  }
0xc5: {  	_ =	swait.ge [sflag:s5], $0x8000  }
0xc6: {  	[sflag:s5] =	ssyncset.done $0x0  }
0xc7: {  	[sflag:s5] =	ssyncadd.s32 $0xFFFF8000  }
0xc8: {  	_ =	swait.ge [sflag:s2], $0x8000  }
0xc9: {  	p0 =	sne.s32 s4, $0x1;
	[sflag:s2] =	ssyncset.done $0x0  }
.Ltmp0:
0xca: {  	s7 =	rddreg [dreg:$0x6];
	[sflag:s2] =	ssyncadd.s32 $0xFFFF8000;
	(pc) =	sbr.rel @p0 .LBB2_1-.Ltmp0, $4  }
0xcb: {  	[hbm4b:s7+s3] =	stream.linear.scatter [tilespmem:s15], [sflag:$0x2], $0x8000, $0x38;
	[tilespmem:$0x10100] =	vst v63  }
0xcc: {  	_ =	swait.ge [sflag:s5], $0x8000  }
0xcd: {  	[sflag:s5] =	ssyncset.done $0x0  }
0xce: {  	s4 =	sadd.s32 $0xFFFFFFFF, s4;
	[sflag:s5] =	ssyncadd.s32 $0xFFFF8000  }
0xcf: {  	_ =	sfence.sel $0x180000  }
0xd0: {  	[bflag:$0x0] =	sbarrier.arrive $0xFFFF  }
0xd1: {  	_ =	strace $0x90000050  }
0xd2: {  	s0 =	stileid.u32;
	[bflag:$0x2] =	sbarrier.arrive $0xFFFF  }
0xd3: {  	p0 =	sne.s32 s0, $0x0;
	s0 =	rddreg [dreg:$0x3]  }
0xd4: {  	s0 =	sadd.s32 @!p0 $0x100000, s0  }
0xd5: {  	[sflag:s0] =	ssyncadd.tile.s32 @!p0 $0x1;
	_ =	shalt  }
.Lfunc_end2:
_tile_overlayer_lowered:
.L_overlay_start_2:
0xd6: {  	(tag) =	ssettag $0x2  }
0xd7: {  	s0 =	rddreg [dreg:$0x0];
	s2 =	stileid.u32  }
0xd8: {  	s1 =	rddreg [dreg:$0x1];
	p0 =	sne.s32 s2, $0x0  }
0xd9: {  	s3 =	rddreg [dreg:$0x2];
	[bflag:$0x3] =	sbarrier.arrive $0xFFFF;
	s2 =	simm.s32 @!p0 $0x1C02  }
0xda: {  	[timem:s3], [sflag:s2] =	dma.local @!p0 [hbm:s0], s1  }
0xdb: {  	s0 =	simm.s32 @!p0 $0x2  }
0xdc: {  	_ =	swait.ge @!p0 [sflag:s0], s1  }
0xdd: {  	s1 =	ssub.s32 @!p0 $0x0, s1;
	[sflag:s0] =	ssyncset.done @!p0 $0x0  }
0xde: {  	[sflag:s0] =	ssyncadd.s32 @!p0 s1  }
0xdf: {  	[bflag:$0x3] =	sbarrier.arrive $0xFFFF  }
0xe0: {  	_ =	shalt  }

</sc_bundles>
